<compile_context>
chip_gen: v7x
topology: tpu7x:2x2x1
jax: 0.10.2.dev20260603
libtpu: 0.0.44.dev20260713+nightly
codegen_flags: <defaults>
</compile_context>

<pallas_src>
import functools

import jax
import jax.numpy as jnp
from jax import lax
from jax.experimental import pallas as pl
from jax.experimental.pallas import tpu as pltpu
from jax.experimental.pallas import tpu_sc as plsc


@functools.lru_cache(maxsize=None)
def _make_gather_kernel(B, D, rows_u, rows_i):
    info = plsc.get_sparse_core_info()
    NC, NS, L = info.num_cores, info.num_subcores, info.num_lanes
    NW = NC * NS
    b_per_w = B // NW
    assert B % (8 * NW) == 0 and D == 2 * L
    mesh = plsc.VectorSubcoreMesh(core_axis_name="c", subcore_axis_name="s")

    @functools.partial(
        pl.kernel,
        mesh=mesh,
        out_type=(
            jax.ShapeDtypeStruct((B, D), jnp.float32),
            jax.ShapeDtypeStruct((B, D), jnp.float32),
        ),
        scratch_types=[
            pltpu.VMEM((b_per_w,), jnp.int32),
            pltpu.VMEM_SHARED((NS * b_per_w, D), jnp.float32),
            pltpu.SemaphoreType.DMA,
        ],
    )
    def k(uids_hbm, iids_hbm, ut_hbm, it_hbm, u_out, v_out,
          idx_v, rows_v, sem):
        sid = lax.axis_index("s")
        wid = sid * NC + lax.axis_index("c")
        base = wid * b_per_w
        sbase = sid * b_per_w

        for ids_hbm, tbl, o_hbm in ((uids_hbm, ut_hbm, u_out),
                                    (iids_hbm, it_hbm, v_out)):
            pltpu.sync_copy(ids_hbm.at[pl.ds(base, b_per_w)], idx_v)

            def group_body(g, _):
                idx16 = idx_v[pl.ds(g * L, L)]
                for l in range(L):
                    r = idx16[l]
                    pltpu.async_copy(
                        tbl.at[pl.ds(r, 1), :],
                        rows_v.at[pl.ds(sbase + g * L + l, 1), :],
                        sem,
                    )
                return 0
            lax.fori_loop(0, b_per_w // L, group_body, 0)
            pltpu.make_async_copy(
                tbl.at[pl.ds(0, b_per_w), :],
                rows_v.at[pl.ds(sbase, b_per_w), :], sem).wait()
            pltpu.sync_copy(rows_v.at[pl.ds(sbase, b_per_w), :],
                            o_hbm.at[pl.ds(base, b_per_w)])

    return k


def kernel(user_ids, item_ids, user_table, item_table):
    (B,) = user_ids.shape
    _, D = user_table.shape
    k = _make_gather_kernel(B, D, user_table.shape[0], item_table.shape[0])
    return k(user_ids.astype(jnp.int32), item_ids.astype(jnp.int32),
             user_table, item_table)

# --- scband reference (transcript-rebuilt; emitter-appended) ---
"""Pipeline reference for scband-two-tower-model-49684181680745 (READ-ONLY COPY).

The authoritative reference and input builder live on the scoring server;
editing this copy changes nothing except your own understanding.
"""

import jax, jax.numpy as jnp
import numpy as np

NUM_USERS = 1000000
NUM_ITEMS = 1000000
EMBED_DIM = 32
BATCH = 16384

def setup_inputs(seed: int = 0) -> dict:
    key = jax.random.key(seed)
    k1, k2, k3, k4 = jax.random.split(key, 4)
    user_ids = jax.random.randint(k1, (BATCH,), 0, NUM_USERS)
    item_ids = jax.random.randint(k2, (BATCH,), 0, NUM_ITEMS)
    user_table = jax.random.normal(k3, (NUM_USERS + 1, EMBED_DIM), dtype=jnp.float32) * 0.02
    item_table = jax.random.normal(k4, (NUM_ITEMS + 1, EMBED_DIM), dtype=jnp.float32) * 0.02
    return {"user_ids": user_ids, "item_ids": item_ids, "user_table": user_table, "item_table": item_table}

def reference(user_ids, item_ids, user_table, item_table):
    # user/item extra dims are 0 -> towers are identity (mlp is None)
    u_vec = jnp.take(user_table, user_ids, axis=0)
    v_vec = jnp.take(item_table, item_ids, axis=0)
    return (u_vec, v_vec)

if __name__ == "__main__":
    import jax
    _d = setup_inputs()
    print(jax.jit(kernel)(*tuple(_d.values())))

</pallas_src>

<mosaic_0001>
#map = affine_map<(d0, d1) -> (0)>
#map1 = affine_map<(d0, d1) -> (0, 0)>
module attributes {stable_mosaic.version = 14 : i64} {
  func.func @k(%arg0: i32, %arg1: i32, %arg2: memref<16384xi32, #tpu.memory_space<hbm>>, %arg3: memref<16384xi32, #tpu.memory_space<hbm>>, %arg4: memref<1000001x32xf32, #tpu.memory_space<hbm>>, %arg5: memref<1000001x32xf32, #tpu.memory_space<hbm>>, %arg6: memref<16384x32xf32, #tpu.memory_space<hbm>>, %arg7: memref<16384x32xf32, #tpu.memory_space<hbm>>, %arg8: memref<512xi32, #tpu.memory_space<vmem>>, %arg9: memref<8192x32xf32, #tpu.memory_space<vmem_shared>>, %arg10: memref<!tpu.dma_semaphore, #tpu.memory_space<semaphore_mem>>) attributes {dimension_semantics = [#tpu.dimension_semantics<core_parallel>, #tpu.dimension_semantics<subcore_parallel>], iteration_bounds = array<i64: 2, 16>, scalar_prefetch = 0 : i64, scratch_operands = 3 : i64, tpu.core_type = #tpu.core_type<sc_vector_subcore>, window_params = [{transform_indices = #map}, {transform_indices = #map}, {transform_indices = #map1}, {transform_indices = #map1}, {transform_indices = #map1}, {transform_indices = #map1}]} {
    %mul3A = arith.constant 2 : i32
    %mul3A_0 = arith.muli %arg1, %mul3A : i32
    %add3A = arith.addi %mul3A_0, %arg0 : i32
    %mul3A_1 = arith.constant 512 : i32
    %mul3A_2 = arith.muli %add3A, %mul3A_1 : i32
    %mul3A_3 = arith.constant 512 : i32
    %mul3A_4 = arith.muli %arg1, %mul3A_3 : i32
    "tpu.region"() ({
      %run_scoped3A = tpu.sem_alloc : memref<!tpu.dma_semaphore, #tpu.memory_space<semaphore_mem>>
      %dma_start3A = tpu.memref_slice %arg2[%mul3A_2] : memref<16384xi32, #tpu.memory_space<hbm>> -> memref<512xi32, #tpu.memory_space<hbm>>
      %dma_start3A_27 = tpu.memref_slice %arg2[%mul3A_2] : memref<16384xi32, #tpu.memory_space<hbm>> -> memref<512xi32, #tpu.memory_space<hbm>>
      tpu.enqueue_dma source(%dma_start3A_27 : memref<512xi32, #tpu.memory_space<hbm>>) target(%arg8 : memref<512xi32, #tpu.memory_space<vmem>>) target_semaphore(%run_scoped3A : memref<!tpu.dma_semaphore, #tpu.memory_space<semaphore_mem>>)
      %dma_wait3A_28 = tpu.memref_slice %arg2[%mul3A_2] : memref<16384xi32, #tpu.memory_space<hbm>> -> memref<512xi32, #tpu.memory_space<hbm>>
      %dma_wait3A_29 = tpu.memref_slice %arg2[%mul3A_2] : memref<16384xi32, #tpu.memory_space<hbm>> -> memref<512xi32, #tpu.memory_space<hbm>>
      tpu.wait_dma2 semaphore(%run_scoped3A : memref<!tpu.dma_semaphore, #tpu.memory_space<semaphore_mem>>) src(%dma_wait3A_29 : memref<512xi32, #tpu.memory_space<hbm>>) dst(%arg8 : memref<512xi32, #tpu.memory_space<vmem>>)
      tpu.yield
    }) : () -> ()
    %scan3A = arith.constant 0 : i32
    %scan3A_5 = arith.constant 0 : i32
    %scan3A_6 = arith.constant 32 : i32
    %scan3A_7 = arith.addi %scan3A_5, %scan3A_6 : i32
    %scan3A_8 = arith.constant 1 : i32
    %scan3A_9 = scf.for %scan3A_27 = %scan3A_5 to %scan3A_7 step %scan3A_8 iter_args(%scan3A_28 = %scan3A) -> (i32)  : i32 {
      %mul3A_29 = arith.constant 16 : i32
      %mul3A_30 = arith.muli %scan3A_27, %mul3A_29 : i32
      %get3A = arith.index_cast %mul3A_30 : i32 to index
      %get3A_31 = tpu.vector_load %arg8[%get3A] {strides = array<i32>} : memref<512xi32, #tpu.memory_space<vmem>>, vector<16xi32>,
      %get3A_32 = vector.shape_cast %get3A_31 : vector<16xi32> to vector<16xi32>
      %slice3A = vector.extract_strided_slice %get3A_32 {offsets = [0], sizes = [1], strides = [1]} : vector<16xi32> to vector<1xi32>
      %squeeze3A = vector.extract %slice3A[0] : i32 from vector<1xi32>
      %mul3A_33 = arith.constant 16 : i32
      %mul3A_34 = arith.muli %scan3A_27, %mul3A_33 : i32
      %add3A_35 = arith.addi %mul3A_4, %mul3A_34 : i32
      %add3A_36 = arith.constant 0 : i32
      %add3A_37 = arith.addi %add3A_35, %add3A_36 : i32
      %dma_start3A = arith.constant 0 : i32
      %dma_start3A_38 = tpu.memref_slice %arg9[%add3A_37, %dma_start3A] : memref<8192x32xf32, #tpu.memory_space<vmem_shared>> -> memref<1x32xf32, #tpu.memory_space<vmem_shared>>
      %dma_start3A_39 = arith.constant 0 : i32
      %dma_start3A_40 = tpu.memref_slice %arg4[%squeeze3A, %dma_start3A_39] : memref<1000001x32xf32, #tpu.memory_space<hbm>> -> memref<1x32xf32, #tpu.memory_space<hbm>>
      tpu.enqueue_dma source(%dma_start3A_40 : memref<1x32xf32, #tpu.memory_space<hbm>>) target(%dma_start3A_38 : memref<1x32xf32, #tpu.memory_space<vmem_shared>>) target_semaphore(%arg10 : memref<!tpu.dma_semaphore, #tpu.memory_space<semaphore_mem>>)
      %slice3A_41 = vector.extract_strided_slice %get3A_32 {offsets = [1], sizes = [1], strides = [1]} : vector<16xi32> to vector<1xi32>
      %squeeze3A_42 = vector.extract %slice3A_41[0] : i32 from vector<1xi32>
      %mul3A_43 = arith.constant 16 : i32
      %mul3A_44 = arith.muli %scan3A_27, %mul3A_43 : i32
      %add3A_45 = arith.addi %mul3A_4, %mul3A_44 : i32
      %add3A_46 = arith.constant 1 : i32
      %add3A_47 = arith.addi %add3A_45, %add3A_46 : i32
      %dma_start3A_48 = arith.constant 0 : i32
      %dma_start3A_49 = tpu.memref_slice %arg9[%add3A_47, %dma_start3A_48] : memref<8192x32xf32, #tpu.memory_space<vmem_shared>> -> memref<1x32xf32, #tpu.memory_space<vmem_shared>>
      %dma_start3A_50 = arith.constant 0 : i32
      %dma_start3A_51 = tpu.memref_slice %arg4[%squeeze3A_42, %dma_start3A_50] : memref<1000001x32xf32, #tpu.memory_space<hbm>> -> memref<1x32xf32, #tpu.memory_space<hbm>>
      tpu.enqueue_dma source(%dma_start3A_51 : memref<1x32xf32, #tpu.memory_space<hbm>>) target(%dma_start3A_49 : memref<1x32xf32, #tpu.memory_space<vmem_shared>>) target_semaphore(%arg10 : memref<!tpu.dma_semaphore, #tpu.memory_space<semaphore_mem>>)
      %slice3A_52 = vector.extract_strided_slice %get3A_32 {offsets = [2], sizes = [1], strides = [1]} : vector<16xi32> to vector<1xi32>
      %squeeze3A_53 = vector.extract %slice3A_52[0] : i32 from vector<1xi32>
      %mul3A_54 = arith.constant 16 : i32
      %mul3A_55 = arith.muli %scan3A_27, %mul3A_54 : i32
      %add3A_56 = arith.addi %mul3A_4, %mul3A_55 : i32
      %add3A_57 = arith.constant 2 : i32
      %add3A_58 = arith.addi %add3A_56, %add3A_57 : i32
      %dma_start3A_59 = arith.constant 0 : i32
      %dma_start3A_60 = tpu.memref_slice %arg9[%add3A_58, %dma_start3A_59] : memref<8192x32xf32, #tpu.memory_space<vmem_shared>> -> memref<1x32xf32, #tpu.memory_space<vmem_shared>>
      %dma_start3A_61 = arith.constant 0 : i32
      %dma_start3A_62 = tpu.memref_slice %arg4[%squeeze3A_53, %dma_start3A_61] : memref<1000001x32xf32, #tpu.memory_space<hbm>> -> memref<1x32xf32, #tpu.memory_space<hbm>>
      tpu.enqueue_dma source(%dma_start3A_62 : memref<1x32xf32, #tpu.memory_space<hbm>>) target(%dma_start3A_60 : memref<1x32xf32, #tpu.memory_space<vmem_shared>>) target_semaphore(%arg10 : memref<!tpu.dma_semaphore, #tpu.memory_space<semaphore_mem>>)
      %slice3A_63 = vector.extract_strided_slice %get3A_32 {offsets = [3], sizes = [1], strides = [1]} : vector<16xi32> to vector<1xi32>
      %squeeze3A_64 = vector.extract %slice3A_63[0] : i32 from vector<1xi32>
      %mul3A_65 = arith.constant 16 : i32
      %mul3A_66 = arith.muli %scan3A_27, %mul3A_65 : i32
      %add3A_67 = arith.addi %mul3A_4, %mul3A_66 : i32
      %add3A_68 = arith.constant 3 : i32
      %add3A_69 = arith.addi %add3A_67, %add3A_68 : i32
      %dma_start3A_70 = arith.constant 0 : i32
      %dma_start3A_71 = tpu.memref_slice %arg9[%add3A_69, %dma_start3A_70] : memref<8192x32xf32, #tpu.memory_space<vmem_shared>> -> memref<1x32xf32, #tpu.memory_space<vmem_shared>>
      %dma_start3A_72 = arith.constant 0 : i32
      %dma_start3A_73 = tpu.memref_slice %arg4[%squeeze3A_64, %dma_start3A_72] : memref<1000001x32xf32, #tpu.memory_space<hbm>> -> memref<1x32xf32, #tpu.memory_space<hbm>>
      tpu.enqueue_dma source(%dma_start3A_73 : memref<1x32xf32, #tpu.memory_space<hbm>>) target(%dma_start3A_71 : memref<1x32xf32, #tpu.memory_space<vmem_shared>>) target_semaphore(%arg10 : memref<!tpu.dma_semaphore, #tpu.memory_space<semaphore_mem>>)
      %slice3A_74 = vector.extract_strided_slice %get3A_32 {offsets = [4], sizes = [1], strides = [1]} : vector<16xi32> to vector<1xi32>
      %squeeze3A_75 = vector.extract %slice3A_74[0] : i32 from vector<1xi32>
      %mul3A_76 = arith.constant 16 : i32
      %mul3A_77 = arith.muli %scan3A_27, %mul3A_76 : i32
      %add3A_78 = arith.addi %mul3A_4, %mul3A_77 : i32
      %add3A_79 = arith.constant 4 : i32
      %add3A_80 = arith.addi %add3A_78, %add3A_79 : i32
      %dma_start3A_81 = arith.constant 0 : i32
      %dma_start3A_82 = tpu.memref_slice %arg9[%add3A_80, %dma_start3A_81] : memref<8192x32xf32, #tpu.memory_space<vmem_shared>> -> memref<1x32xf32, #tpu.memory_space<vmem_shared>>
      %dma_start3A_83 = arith.constant 0 : i32
      %dma_start3A_84 = tpu.memref_slice %arg4[%squeeze3A_75, %dma_start3A_83] : memref<1000001x32xf32, #tpu.memory_space<hbm>> -> memref<1x32xf32, #tpu.memory_space<hbm>>
      tpu.enqueue_dma source(%dma_start3A_84 : memref<1x32xf32, #tpu.memory_space<hbm>>) target(%dma_start3A_82 : memref<1x32xf32, #tpu.memory_space<vmem_shared>>) target_semaphore(%arg10 : memref<!tpu.dma_semaphore, #tpu.memory_space<semaphore_mem>>)
      %slice3A_85 = vector.extract_strided_slice %get3A_32 {offsets = [5], sizes = [1], strides = [1]} : vector<16xi32> to vector<1xi32>
      %squeeze3A_86 = vector.extract %slice3A_85[0] : i32 from vector<1xi32>
      %mul3A_87 = arith.constant 16 : i32
      %mul3A_88 = arith.muli %scan3A_27, %mul3A_87 : i32
      %add3A_89 = arith.addi %mul3A_4, %mul3A_88 : i32
      %add3A_90 = arith.constant 5 : i32
      %add3A_91 = arith.addi %add3A_89, %add3A_90 : i32
      %dma_start3A_92 = arith.constant 0 : i32
      %dma_start3A_93 = tpu.memref_slice %arg9[%add3A_91, %dma_start3A_92] : memref<8192x32xf32, #tpu.memory_space<vmem_shared>> -> memref<1x32xf32, #tpu.memory_space<vmem_shared>>
      %dma_start3A_94 = arith.constant 0 : i32
      %dma_start3A_95 = tpu.memref_slice %arg4[%squeeze3A_86, %dma_start3A_94] : memref<1000001x32xf32, #tpu.memory_space<hbm>> -> memref<1x32xf32, #tpu.memory_space<hbm>>
      tpu.enqueue_dma source(%dma_start3A_95 : memref<1x32xf32, #tpu.memory_space<hbm>>) target(%dma_start3A_93 : memref<1x32xf32, #tpu.memory_space<vmem_shared>>) target_semaphore(%arg10 : memref<!tpu.dma_semaphore, #tpu.memory_space<semaphore_mem>>)
      %slice3A_96 = vector.extract_strided_slice %get3A_32 {offsets = [6], sizes = [1], strides = [1]} : vector<16xi32> to vector<1xi32>
      %squeeze3A_97 = vector.extract %slice3A_96[0] : i32 from vector<1xi32>
      %mul3A_98 = arith.constant 16 : i32
      %mul3A_99 = arith.muli %scan3A_27, %mul3A_98 : i32
      %add3A_100 = arith.addi %mul3A_4, %mul3A_99 : i32
      %add3A_101 = arith.constant 6 : i32
      %add3A_102 = arith.addi %add3A_100, %add3A_101 : i32
      %dma_start3A_103 = arith.constant 0 : i32
      %dma_start3A_104 = tpu.memref_slice %arg9[%add3A_102, %dma_start3A_103] : memref<8192x32xf32, #tpu.memory_space<vmem_shared>> -> memref<1x32xf32, #tpu.memory_space<vmem_shared>>
      %dma_start3A_105 = arith.constant 0 : i32
      %dma_start3A_106 = tpu.memref_slice %arg4[%squeeze3A_97, %dma_start3A_105] : memref<1000001x32xf32, #tpu.memory_space<hbm>> -> memref<1x32xf32, #tpu.memory_space<hbm>>
      tpu.enqueue_dma source(%dma_start3A_106 : memref<1x32xf32, #tpu.memory_space<hbm>>) target(%dma_start3A_104 : memref<1x32xf32, #tpu.memory_space<vmem_shared>>) target_semaphore(%arg10 : memref<!tpu.dma_semaphore, #tpu.memory_space<semaphore_mem>>)
      %slice3A_107 = vector.extract_strided_slice %get3A_32 {offsets = [7], sizes = [1], strides = [1]} : vector<16xi32> to vector<1xi32>
      %squeeze3A_108 = vector.extract %slice3A_107[0] : i32 from vector<1xi32>
      %mul3A_109 = arith.constant 16 : i32
      %mul3A_110 = arith.muli %scan3A_27, %mul3A_109 : i32
      %add3A_111 = arith.addi %mul3A_4, %mul3A_110 : i32
      %add3A_112 = arith.constant 7 : i32
      %add3A_113 = arith.addi %add3A_111, %add3A_112 : i32
      %dma_start3A_114 = arith.constant 0 : i32
      %dma_start3A_115 = tpu.memref_slice %arg9[%add3A_113, %dma_start3A_114] : memref<8192x32xf32, #tpu.memory_space<vmem_shared>> -> memref<1x32xf32, #tpu.memory_space<vmem_shared>>
      %dma_start3A_116 = arith.constant 0 : i32
      %dma_start3A_117 = tpu.memref_slice %arg4[%squeeze3A_108, %dma_start3A_116] : memref<1000001x32xf32, #tpu.memory_space<hbm>> -> memref<1x32xf32, #tpu.memory_space<hbm>>
      tpu.enqueue_dma source(%dma_start3A_117 : memref<1x32xf32, #tpu.memory_space<hbm>>) target(%dma_start3A_115 : memref<1x32xf32, #tpu.memory_space<vmem_shared>>) target_semaphore(%arg10 : memref<!tpu.dma_semaphore, #tpu.memory_space<semaphore_mem>>)
      %slice3A_118 = vector.extract_strided_slice %get3A_32 {offsets = [8], sizes = [1], strides = [1]} : vector<16xi32> to vector<1xi32>
      %squeeze3A_119 = vector.extract %slice3A_118[0] : i32 from vector<1xi32>
      %mul3A_120 = arith.constant 16 : i32
      %mul3A_121 = arith.muli %scan3A_27, %mul3A_120 : i32
      %add3A_122 = arith.addi %mul3A_4, %mul3A_121 : i32
      %add3A_123 = arith.constant 8 : i32
      %add3A_124 = arith.addi %add3A_122, %add3A_123 : i32
      %dma_start3A_125 = arith.constant 0 : i32
      %dma_start3A_126 = tpu.memref_slice %arg9[%add3A_124, %dma_start3A_125] : memref<8192x32xf32, #tpu.memory_space<vmem_shared>> -> memref<1x32xf32, #tpu.memory_space<vmem_shared>>
      %dma_start3A_127 = arith.constant 0 : i32
      %dma_start3A_128 = tpu.memref_slice %arg4[%squeeze3A_119, %dma_start3A_127] : memref<1000001x32xf32, #tpu.memory_space<hbm>> -> memref<1x32xf32, #tpu.memory_space<hbm>>
      tpu.enqueue_dma source(%dma_start3A_128 : memref<1x32xf32, #tpu.memory_space<hbm>>) target(%dma_start3A_126 : memref<1x32xf32, #tpu.memory_space<vmem_shared>>) target_semaphore(%arg10 : memref<!tpu.dma_semaphore, #tpu.memory_space<semaphore_mem>>)
      %slice3A_129 = vector.extract_strided_slice %get3A_32 {offsets = [9], sizes = [1], strides = [1]} : vector<16xi32> to vector<1xi32>
      %squeeze3A_130 = vector.extract %slice3A_129[0] : i32 from vector<1xi32>
      %mul3A_131 = arith.constant 16 : i32
      %mul3A_132 = arith.muli %scan3A_27, %mul3A_131 : i32
      %add3A_133 = arith.addi %mul3A_4, %mul3A_132 : i32
      %add3A_134 = arith.constant 9 : i32
      %add3A_135 = arith.addi %add3A_133, %add3A_134 : i32
      %dma_start3A_136 = arith.constant 0 : i32
      %dma_start3A_137 = tpu.memref_slice %arg9[%add3A_135, %dma_start3A_136] : memref<8192x32xf32, #tpu.memory_space<vmem_shared>> -> memref<1x32xf32, #tpu.memory_space<vmem_shared>>
      %dma_start3A_138 = arith.constant 0 : i32
      %dma_start3A_139 = tpu.memref_slice %arg4[%squeeze3A_130, %dma_start3A_138] : memref<1000001x32xf32, #tpu.memory_space<hbm>> -> memref<1x32xf32, #tpu.memory_space<hbm>>
      tpu.enqueue_dma source(%dma_start3A_139 : memref<1x32xf32, #tpu.memory_space<hbm>>) target(%dma_start3A_137 : memref<1x32xf32, #tpu.memory_space<vmem_shared>>) target_semaphore(%arg10 : memref<!tpu.dma_semaphore, #tpu.memory_space<semaphore_mem>>)
      %slice3A_140 = vector.extract_strided_slice %get3A_32 {offsets = [10], sizes = [1], strides = [1]} : vector<16xi32> to vector<1xi32>
      %squeeze3A_141 = vector.extract %slice3A_140[0] : i32 from vector<1xi32>
      %mul3A_142 = arith.constant 16 : i32
      %mul3A_143 = arith.muli %scan3A_27, %mul3A_142 : i32
      %add3A_144 = arith.addi %mul3A_4, %mul3A_143 : i32
      %add3A_145 = arith.constant 10 : i32
      %add3A_146 = arith.addi %add3A_144, %add3A_145 : i32
      %dma_start3A_147 = arith.constant 0 : i32
      %dma_start3A_148 = tpu.memref_slice %arg9[%add3A_146, %dma_start3A_147] : memref<8192x32xf32, #tpu.memory_space<vmem_shared>> -> memref<1x32xf32, #tpu.memory_space<vmem_shared>>
      %dma_start3A_149 = arith.constant 0 : i32
      %dma_start3A_150 = tpu.memref_slice %arg4[%squeeze3A_141, %dma_start3A_149] : memref<1000001x32xf32, #tpu.memory_space<hbm>> -> memref<1x32xf32, #tpu.memory_space<hbm>>
      tpu.enqueue_dma source(%dma_start3A_150 : memref<1x32xf32, #tpu.memory_space<hbm>>) target(%dma_start3A_148 : memref<1x32xf32, #tpu.memory_space<vmem_shared>>) target_semaphore(%arg10 : memref<!tpu.dma_semaphore, #tpu.memory_space<semaphore_mem>>)
      %slice3A_151 = vector.extract_strided_slice %get3A_32 {offsets = [11], sizes = [1], strides = [1]} : vector<16xi32> to vector<1xi32>
      %squeeze3A_152 = vector.extract %slice3A_151[0] : i32 from vector<1xi32>
      %mul3A_153 = arith.constant 16 : i32
      %mul3A_154 = arith.muli %scan3A_27, %mul3A_153 : i32
      %add3A_155 = arith.addi %mul3A_4, %mul3A_154 : i32
      %add3A_156 = arith.constant 11 : i32
      %add3A_157 = arith.addi %add3A_155, %add3A_156 : i32
      %dma_start3A_158 = arith.constant 0 : i32
      %dma_start3A_159 = tpu.memref_slice %arg9[%add3A_157, %dma_start3A_158] : memref<8192x32xf32, #tpu.memory_space<vmem_shared>> -> memref<1x32xf32, #tpu.memory_space<vmem_shared>>
      %dma_start3A_160 = arith.constant 0 : i32
      %dma_start3A_161 = tpu.memref_slice %arg4[%squeeze3A_152, %dma_start3A_160] : memref<1000001x32xf32, #tpu.memory_space<hbm>> -> memref<1x32xf32, #tpu.memory_space<hbm>>
      tpu.enqueue_dma source(%dma_start3A_161 : memref<1x32xf32, #tpu.memory_space<hbm>>) target(%dma_start3A_159 : memref<1x32xf32, #tpu.memory_space<vmem_shared>>) target_semaphore(%arg10 : memref<!tpu.dma_semaphore, #tpu.memory_space<semaphore_mem>>)
      %slice3A_162 = vector.extract_strided_slice %get3A_32 {offsets = [12], sizes = [1], strides = [1]} : vector<16xi32> to vector<1xi32>
      %squeeze3A_163 = vector.extract %slice3A_162[0] : i32 from vector<1xi32>
      %mul3A_164 = arith.constant 16 : i32
      %mul3A_165 = arith.muli %scan3A_27, %mul3A_164 : i32
      %add3A_166 = arith.addi %mul3A_4, %mul3A_165 : i32
      %add3A_167 = arith.constant 12 : i32
      %add3A_168 = arith.addi %add3A_166, %add3A_167 : i32
      %dma_start3A_169 = arith.constant 0 : i32
      %dma_start3A_170 = tpu.memref_slice %arg9[%add3A_168, %dma_start3A_169] : memref<8192x32xf32, #tpu.memory_space<vmem_shared>> -> memref<1x32xf32, #tpu.memory_space<vmem_shared>>
      %dma_start3A_171 = arith.constant 0 : i32
      %dma_start3A_172 = tpu.memref_slice %arg4[%squeeze3A_163, %dma_start3A_171] : memref<1000001x32xf32, #tpu.memory_space<hbm>> -> memref<1x32xf32, #tpu.memory_space<hbm>>
      tpu.enqueue_dma source(%dma_start3A_172 : memref<1x32xf32, #tpu.memory_space<hbm>>) target(%dma_start3A_170 : memref<1x32xf32, #tpu.memory_space<vmem_shared>>) target_semaphore(%arg10 : memref<!tpu.dma_semaphore, #tpu.memory_space<semaphore_mem>>)
      %slice3A_173 = vector.extract_strided_slice %get3A_32 {offsets = [13], sizes = [1], strides = [1]} : vector<16xi32> to vector<1xi32>
      %squeeze3A_174 = vector.extract %slice3A_173[0] : i32 from vector<1xi32>
      %mul3A_175 = arith.constant 16 : i32
      %mul3A_176 = arith.muli %scan3A_27, %mul3A_175 : i32
      %add3A_177 = arith.addi %mul3A_4, %mul3A_176 : i32
      %add3A_178 = arith.constant 13 : i32
      %add3A_179 = arith.addi %add3A_177, %add3A_178 : i32
      %dma_start3A_180 = arith.constant 0 : i32
      %dma_start3A_181 = tpu.memref_slice %arg9[%add3A_179, %dma_start3A_180] : memref<8192x32xf32, #tpu.memory_space<vmem_shared>> -> memref<1x32xf32, #tpu.memory_space<vmem_shared>>
      %dma_start3A_182 = arith.constant 0 : i32
      %dma_start3A_183 = tpu.memref_slice %arg4[%squeeze3A_174, %dma_start3A_182] : memref<1000001x32xf32, #tpu.memory_space<hbm>> -> memref<1x32xf32, #tpu.memory_space<hbm>>
      tpu.enqueue_dma source(%dma_start3A_183 : memref<1x32xf32, #tpu.memory_space<hbm>>) target(%dma_start3A_181 : memref<1x32xf32, #tpu.memory_space<vmem_shared>>) target_semaphore(%arg10 : memref<!tpu.dma_semaphore, #tpu.memory_space<semaphore_mem>>)
      %slice3A_184 = vector.extract_strided_slice %get3A_32 {offsets = [14], sizes = [1], strides = [1]} : vector<16xi32> to vector<1xi32>
      %squeeze3A_185 = vector.extract %slice3A_184[0] : i32 from vector<1xi32>
      %mul3A_186 = arith.constant 16 : i32
      %mul3A_187 = arith.muli %scan3A_27, %mul3A_186 : i32
      %add3A_188 = arith.addi %mul3A_4, %mul3A_187 : i32
      %add3A_189 = arith.constant 14 : i32
      %add3A_190 = arith.addi %add3A_188, %add3A_189 : i32
      %dma_start3A_191 = arith.constant 0 : i32
      %dma_start3A_192 = tpu.memref_slice %arg9[%add3A_190, %dma_start3A_191] : memref<8192x32xf32, #tpu.memory_space<vmem_shared>> -> memref<1x32xf32, #tpu.memory_space<vmem_shared>>
      %dma_start3A_193 = arith.constant 0 : i32
      %dma_start3A_194 = tpu.memref_slice %arg4[%squeeze3A_185, %dma_start3A_193] : memref<1000001x32xf32, #tpu.memory_space<hbm>> -> memref<1x32xf32, #tpu.memory_space<hbm>>
      tpu.enqueue_dma source(%dma_start3A_194 : memref<1x32xf32, #tpu.memory_space<hbm>>) target(%dma_start3A_192 : memref<1x32xf32, #tpu.memory_space<vmem_shared>>) target_semaphore(%arg10 : memref<!tpu.dma_semaphore, #tpu.memory_space<semaphore_mem>>)
      %slice3A_195 = vector.extract_strided_slice %get3A_32 {offsets = [15], sizes = [1], strides = [1]} : vector<16xi32> to vector<1xi32>
      %squeeze3A_196 = vector.extract %slice3A_195[0] : i32 from vector<1xi32>
      %mul3A_197 = arith.constant 16 : i32
      %mul3A_198 = arith.muli %scan3A_27, %mul3A_197 : i32
      %add3A_199 = arith.addi %mul3A_4, %mul3A_198 : i32
      %add3A_200 = arith.constant 15 : i32
      %add3A_201 = arith.addi %add3A_199, %add3A_200 : i32
      %dma_start3A_202 = arith.constant 0 : i32
      %dma_start3A_203 = tpu.memref_slice %arg9[%add3A_201, %dma_start3A_202] : memref<8192x32xf32, #tpu.memory_space<vmem_shared>> -> memref<1x32xf32, #tpu.memory_space<vmem_shared>>
      %dma_start3A_204 = arith.constant 0 : i32
      %dma_start3A_205 = tpu.memref_slice %arg4[%squeeze3A_196, %dma_start3A_204] : memref<1000001x32xf32, #tpu.memory_space<hbm>> -> memref<1x32xf32, #tpu.memory_space<hbm>>
      tpu.enqueue_dma source(%dma_start3A_205 : memref<1x32xf32, #tpu.memory_space<hbm>>) target(%dma_start3A_203 : memref<1x32xf32, #tpu.memory_space<vmem_shared>>) target_semaphore(%arg10 : memref<!tpu.dma_semaphore, #tpu.memory_space<semaphore_mem>>)
      %scan3A_206 = arith.constant 0 : i32
      scf.yield %scan3A_206 : i32
    }
    %scan3A_10 = arith.constant 32 : i32
    %dma_wait3A = arith.constant 0 : i32
    %dma_wait3A_11 = tpu.memref_slice %arg9[%mul3A_4, %dma_wait3A] : memref<8192x32xf32, #tpu.memory_space<vmem_shared>> -> memref<512x32xf32, #tpu.memory_space<vmem_shared>>
    %dma_wait3A_12 = arith.constant 0 : i32
    %dma_wait3A_13 = arith.constant 0 : i32
    %dma_wait3A_14 = tpu.memref_slice %arg4[%dma_wait3A_12, %dma_wait3A_13] : memref<1000001x32xf32, #tpu.memory_space<hbm>> -> memref<512x32xf32, #tpu.memory_space<hbm>>
    tpu.wait_dma2 semaphore(%arg10 : memref<!tpu.dma_semaphore, #tpu.memory_space<semaphore_mem>>) src(%dma_wait3A_14 : memref<512x32xf32, #tpu.memory_space<hbm>>) dst(%dma_wait3A_11 : memref<512x32xf32, #tpu.memory_space<vmem_shared>>)
    "tpu.region"() ({
      %run_scoped3A = tpu.sem_alloc : memref<!tpu.dma_semaphore, #tpu.memory_space<semaphore_mem>>
      %dma_start3A = arith.constant 0 : i32
      %dma_start3A_27 = tpu.memref_slice %arg6[%mul3A_2, %dma_start3A] : memref<16384x32xf32, #tpu.memory_space<hbm>> -> memref<512x32xf32, #tpu.memory_space<hbm>>
      %dma_start3A_28 = arith.constant 0 : i32
      %dma_start3A_29 = tpu.memref_slice %arg9[%mul3A_4, %dma_start3A_28] : memref<8192x32xf32, #tpu.memory_space<vmem_shared>> -> memref<512x32xf32, #tpu.memory_space<vmem_shared>>
      tpu.enqueue_dma source(%dma_start3A_29 : memref<512x32xf32, #tpu.memory_space<vmem_shared>>) target(%dma_start3A_27 : memref<512x32xf32, #tpu.memory_space<hbm>>) target_semaphore(%run_scoped3A : memref<!tpu.dma_semaphore, #tpu.memory_space<semaphore_mem>>)
      %dma_wait3A_30 = arith.constant 0 : i32
      %dma_wait3A_31 = tpu.memref_slice %arg6[%mul3A_2, %dma_wait3A_30] : memref<16384x32xf32, #tpu.memory_space<hbm>> -> memref<512x32xf32, #tpu.memory_space<hbm>>
      %dma_wait3A_32 = arith.constant 0 : i32
      %dma_wait3A_33 = tpu.memref_slice %arg9[%mul3A_4, %dma_wait3A_32] : memref<8192x32xf32, #tpu.memory_space<vmem_shared>> -> memref<512x32xf32, #tpu.memory_space<vmem_shared>>
      tpu.wait_dma2 semaphore(%run_scoped3A : memref<!tpu.dma_semaphore, #tpu.memory_space<semaphore_mem>>) src(%dma_wait3A_33 : memref<512x32xf32, #tpu.memory_space<vmem_shared>>) dst(%dma_wait3A_31 : memref<512x32xf32, #tpu.memory_space<hbm>>)
      tpu.yield
    }) : () -> ()
    "tpu.region"() ({
      %run_scoped3A = tpu.sem_alloc : memref<!tpu.dma_semaphore, #tpu.memory_space<semaphore_mem>>
      %dma_start3A = tpu.memref_slice %arg3[%mul3A_2] : memref<16384xi32, #tpu.memory_space<hbm>> -> memref<512xi32, #tpu.memory_space<hbm>>
      %dma_start3A_27 = tpu.memref_slice %arg3[%mul3A_2] : memref<16384xi32, #tpu.memory_space<hbm>> -> memref<512xi32, #tpu.memory_space<hbm>>
      tpu.enqueue_dma source(%dma_start3A_27 : memref<512xi32, #tpu.memory_space<hbm>>) target(%arg8 : memref<512xi32, #tpu.memory_space<vmem>>) target_semaphore(%run_scoped3A : memref<!tpu.dma_semaphore, #tpu.memory_space<semaphore_mem>>)
      %dma_wait3A_28 = tpu.memref_slice %arg3[%mul3A_2] : memref<16384xi32, #tpu.memory_space<hbm>> -> memref<512xi32, #tpu.memory_space<hbm>>
      %dma_wait3A_29 = tpu.memref_slice %arg3[%mul3A_2] : memref<16384xi32, #tpu.memory_space<hbm>> -> memref<512xi32, #tpu.memory_space<hbm>>
      tpu.wait_dma2 semaphore(%run_scoped3A : memref<!tpu.dma_semaphore, #tpu.memory_space<semaphore_mem>>) src(%dma_wait3A_29 : memref<512xi32, #tpu.memory_space<hbm>>) dst(%arg8 : memref<512xi32, #tpu.memory_space<vmem>>)
      tpu.yield
    }) : () -> ()
    %scan3A_15 = arith.constant 0 : i32
    %scan3A_16 = arith.constant 0 : i32
    %scan3A_17 = arith.constant 32 : i32
    %scan3A_18 = arith.addi %scan3A_16, %scan3A_17 : i32
    %scan3A_19 = arith.constant 1 : i32
    %scan3A_20 = scf.for %scan3A_27 = %scan3A_16 to %scan3A_18 step %scan3A_19 iter_args(%scan3A_28 = %scan3A_15) -> (i32)  : i32 {
      %mul3A_29 = arith.constant 16 : i32
      %mul3A_30 = arith.muli %scan3A_27, %mul3A_29 : i32
      %get3A = arith.index_cast %mul3A_30 : i32 to index
      %get3A_31 = tpu.vector_load %arg8[%get3A] {strides = array<i32>} : memref<512xi32, #tpu.memory_space<vmem>>, vector<16xi32>,
      %get3A_32 = vector.shape_cast %get3A_31 : vector<16xi32> to vector<16xi32>
      %slice3A = vector.extract_strided_slice %get3A_32 {offsets = [0], sizes = [1], strides = [1]} : vector<16xi32> to vector<1xi32>
      %squeeze3A = vector.extract %slice3A[0] : i32 from vector<1xi32>
      %mul3A_33 = arith.constant 16 : i32
      %mul3A_34 = arith.muli %scan3A_27, %mul3A_33 : i32
      %add3A_35 = arith.addi %mul3A_4, %mul3A_34 : i32
      %add3A_36 = arith.constant 0 : i32
      %add3A_37 = arith.addi %add3A_35, %add3A_36 : i32
      %dma_start3A = arith.constant 0 : i32
      %dma_start3A_38 = tpu.memref_slice %arg9[%add3A_37, %dma_start3A] : memref<8192x32xf32, #tpu.memory_space<vmem_shared>> -> memref<1x32xf32, #tpu.memory_space<vmem_shared>>
      %dma_start3A_39 = arith.constant 0 : i32
      %dma_start3A_40 = tpu.memref_slice %arg5[%squeeze3A, %dma_start3A_39] : memref<1000001x32xf32, #tpu.memory_space<hbm>> -> memref<1x32xf32, #tpu.memory_space<hbm>>
      tpu.enqueue_dma source(%dma_start3A_40 : memref<1x32xf32, #tpu.memory_space<hbm>>) target(%dma_start3A_38 : memref<1x32xf32, #tpu.memory_space<vmem_shared>>) target_semaphore(%arg10 : memref<!tpu.dma_semaphore, #tpu.memory_space<semaphore_mem>>)
      %slice3A_41 = vector.extract_strided_slice %get3A_32 {offsets = [1], sizes = [1], strides = [1]} : vector<16xi32> to vector<1xi32>
      %squeeze3A_42 = vector.extract %slice3A_41[0] : i32 from vector<1xi32>
      %mul3A_43 = arith.constant 16 : i32
      %mul3A_44 = arith.muli %scan3A_27, %mul3A_43 : i32
      %add3A_45 = arith.addi %mul3A_4, %mul3A_44 : i32
      %add3A_46 = arith.constant 1 : i32
      %add3A_47 = arith.addi %add3A_45, %add3A_46 : i32
      %dma_start3A_48 = arith.constant 0 : i32
      %dma_start3A_49 = tpu.memref_slice %arg9[%add3A_47, %dma_start3A_48] : memref<8192x32xf32, #tpu.memory_space<vmem_shared>> -> memref<1x32xf32, #tpu.memory_space<vmem_shared>>
      %dma_start3A_50 = arith.constant 0 : i32
      %dma_start3A_51 = tpu.memref_slice %arg5[%squeeze3A_42, %dma_start3A_50] : memref<1000001x32xf32, #tpu.memory_space<hbm>> -> memref<1x32xf32, #tpu.memory_space<hbm>>
      tpu.enqueue_dma source(%dma_start3A_51 : memref<1x32xf32, #tpu.memory_space<hbm>>) target(%dma_start3A_49 : memref<1x32xf32, #tpu.memory_space<vmem_shared>>) target_semaphore(%arg10 : memref<!tpu.dma_semaphore, #tpu.memory_space<semaphore_mem>>)
      %slice3A_52 = vector.extract_strided_slice %get3A_32 {offsets = [2], sizes = [1], strides = [1]} : vector<16xi32> to vector<1xi32>
      %squeeze3A_53 = vector.extract %slice3A_52[0] : i32 from vector<1xi32>
      %mul3A_54 = arith.constant 16 : i32
      %mul3A_55 = arith.muli %scan3A_27, %mul3A_54 : i32
      %add3A_56 = arith.addi %mul3A_4, %mul3A_55 : i32
      %add3A_57 = arith.constant 2 : i32
      %add3A_58 = arith.addi %add3A_56, %add3A_57 : i32
      %dma_start3A_59 = arith.constant 0 : i32
      %dma_start3A_60 = tpu.memref_slice %arg9[%add3A_58, %dma_start3A_59] : memref<8192x32xf32, #tpu.memory_space<vmem_shared>> -> memref<1x32xf32, #tpu.memory_space<vmem_shared>>
      %dma_start3A_61 = arith.constant 0 : i32
      %dma_start3A_62 = tpu.memref_slice %arg5[%squeeze3A_53, %dma_start3A_61] : memref<1000001x32xf32, #tpu.memory_space<hbm>> -> memref<1x32xf32, #tpu.memory_space<hbm>>
      tpu.enqueue_dma source(%dma_start3A_62 : memref<1x32xf32, #tpu.memory_space<hbm>>) target(%dma_start3A_60 : memref<1x32xf32, #tpu.memory_space<vmem_shared>>) target_semaphore(%arg10 : memref<!tpu.dma_semaphore, #tpu.memory_space<semaphore_mem>>)
      %slice3A_63 = vector.extract_strided_slice %get3A_32 {offsets = [3], sizes = [1], strides = [1]} : vector<16xi32> to vector<1xi32>
      %squeeze3A_64 = vector.extract %slice3A_63[0] : i32 from vector<1xi32>
      %mul3A_65 = arith.constant 16 : i32
      %mul3A_66 = arith.muli %scan3A_27, %mul3A_65 : i32
      %add3A_67 = arith.addi %mul3A_4, %mul3A_66 : i32
      %add3A_68 = arith.constant 3 : i32
      %add3A_69 = arith.addi %add3A_67, %add3A_68 : i32
      %dma_start3A_70 = arith.constant 0 : i32
      %dma_start3A_71 = tpu.memref_slice %arg9[%add3A_69, %dma_start3A_70] : memref<8192x32xf32, #tpu.memory_space<vmem_shared>> -> memref<1x32xf32, #tpu.memory_space<vmem_shared>>
      %dma_start3A_72 = arith.constant 0 : i32
      %dma_start3A_73 = tpu.memref_slice %arg5[%squeeze3A_64, %dma_start3A_72] : memref<1000001x32xf32, #tpu.memory_space<hbm>> -> memref<1x32xf32, #tpu.memory_space<hbm>>
      tpu.enqueue_dma source(%dma_start3A_73 : memref<1x32xf32, #tpu.memory_space<hbm>>) target(%dma_start3A_71 : memref<1x32xf32, #tpu.memory_space<vmem_shared>>) target_semaphore(%arg10 : memref<!tpu.dma_semaphore, #tpu.memory_space<semaphore_mem>>)
      %slice3A_74 = vector.extract_strided_slice %get3A_32 {offsets = [4], sizes = [1], strides = [1]} : vector<16xi32> to vector<1xi32>
      %squeeze3A_75 = vector.extract %slice3A_74[0] : i32 from vector<1xi32>
      %mul3A_76 = arith.constant 16 : i32
      %mul3A_77 = arith.muli %scan3A_27, %mul3A_76 : i32
      %add3A_78 = arith.addi %mul3A_4, %mul3A_77 : i32
      %add3A_79 = arith.constant 4 : i32
      %add3A_80 = arith.addi %add3A_78, %add3A_79 : i32
      %dma_start3A_81 = arith.constant 0 : i32
      %dma_start3A_82 = tpu.memref_slice %arg9[%add3A_80, %dma_start3A_81] : memref<8192x32xf32, #tpu.memory_space<vmem_shared>> -> memref<1x32xf32, #tpu.memory_space<vmem_shared>>
      %dma_start3A_83 = arith.constant 0 : i32
      %dma_start3A_84 = tpu.memref_slice %arg5[%squeeze3A_75, %dma_start3A_83] : memref<1000001x32xf32, #tpu.memory_space<hbm>> -> memref<1x32xf32, #tpu.memory_space<hbm>>
      tpu.enqueue_dma source(%dma_start3A_84 : memref<1x32xf32, #tpu.memory_space<hbm>>) target(%dma_start3A_82 : memref<1x32xf32, #tpu.memory_space<vmem_shared>>) target_semaphore(%arg10 : memref<!tpu.dma_semaphore, #tpu.memory_space<semaphore_mem>>)
      %slice3A_85 = vector.extract_strided_slice %get3A_32 {offsets = [5], sizes = [1], strides = [1]} : vector<16xi32> to vector<1xi32>
      %squeeze3A_86 = vector.extract %slice3A_85[0] : i32 from vector<1xi32>
      %mul3A_87 = arith.constant 16 : i32
      %mul3A_88 = arith.muli %scan3A_27, %mul3A_87 : i32
      %add3A_89 = arith.addi %mul3A_4, %mul3A_88 : i32
      %add3A_90 = arith.constant 5 : i32
      %add3A_91 = arith.addi %add3A_89, %add3A_90 : i32
      %dma_start3A_92 = arith.constant 0 : i32
      %dma_start3A_93 = tpu.memref_slice %arg9[%add3A_91, %dma_start3A_92] : memref<8192x32xf32, #tpu.memory_space<vmem_shared>> -> memref<1x32xf32, #tpu.memory_space<vmem_shared>>
      %dma_start3A_94 = arith.constant 0 : i32
      %dma_start3A_95 = tpu.memref_slice %arg5[%squeeze3A_86, %dma_start3A_94] : memref<1000001x32xf32, #tpu.memory_space<hbm>> -> memref<1x32xf32, #tpu.memory_space<hbm>>
      tpu.enqueue_dma source(%dma_start3A_95 : memref<1x32xf32, #tpu.memory_space<hbm>>) target(%dma_start3A_93 : memref<1x32xf32, #tpu.memory_space<vmem_shared>>) target_semaphore(%arg10 : memref<!tpu.dma_semaphore, #tpu.memory_space<semaphore_mem>>)
      %slice3A_96 = vector.extract_strided_slice %get3A_32 {offsets = [6], sizes = [1], strides = [1]} : vector<16xi32> to vector<1xi32>
      %squeeze3A_97 = vector.extract %slice3A_96[0] : i32 from vector<1xi32>
      %mul3A_98 = arith.constant 16 : i32
      %mul3A_99 = arith.muli %scan3A_27, %mul3A_98 : i32
      %add3A_100 = arith.addi %mul3A_4, %mul3A_99 : i32
      %add3A_101 = arith.constant 6 : i32
      %add3A_102 = arith.addi %add3A_100, %add3A_101 : i32
      %dma_start3A_103 = arith.constant 0 : i32
      %dma_start3A_104 = tpu.memref_slice %arg9[%add3A_102, %dma_start3A_103] : memref<8192x32xf32, #tpu.memory_space<vmem_shared>> -> memref<1x32xf32, #tpu.memory_space<vmem_shared>>
      %dma_start3A_105 = arith.constant 0 : i32
      %dma_start3A_106 = tpu.memref_slice %arg5[%squeeze3A_97, %dma_start3A_105] : memref<1000001x32xf32, #tpu.memory_space<hbm>> -> memref<1x32xf32, #tpu.memory_space<hbm>>
      tpu.enqueue_dma source(%dma_start3A_106 : memref<1x32xf32, #tpu.memory_space<hbm>>) target(%dma_start3A_104 : memref<1x32xf32, #tpu.memory_space<vmem_shared>>) target_semaphore(%arg10 : memref<!tpu.dma_semaphore, #tpu.memory_space<semaphore_mem>>)
      %slice3A_107 = vector.extract_strided_slice %get3A_32 {offsets = [7], sizes = [1], strides = [1]} : vector<16xi32> to vector<1xi32>
      %squeeze3A_108 = vector.extract %slice3A_107[0] : i32 from vector<1xi32>
      %mul3A_109 = arith.constant 16 : i32
      %mul3A_110 = arith.muli %scan3A_27, %mul3A_109 : i32
      %add3A_111 = arith.addi %mul3A_4, %mul3A_110 : i32
      %add3A_112 = arith.constant 7 : i32
      %add3A_113 = arith.addi %add3A_111, %add3A_112 : i32
      %dma_start3A_114 = arith.constant 0 : i32
      %dma_start3A_115 = tpu.memref_slice %arg9[%add3A_113, %dma_start3A_114] : memref<8192x32xf32, #tpu.memory_space<vmem_shared>> -> memref<1x32xf32, #tpu.memory_space<vmem_shared>>
      %dma_start3A_116 = arith.constant 0 : i32
      %dma_start3A_117 = tpu.memref_slice %arg5[%squeeze3A_108, %dma_start3A_116] : memref<1000001x32xf32, #tpu.memory_space<hbm>> -> memref<1x32xf32, #tpu.memory_space<hbm>>
      tpu.enqueue_dma source(%dma_start3A_117 : memref<1x32xf32, #tpu.memory_space<hbm>>) target(%dma_start3A_115 : memref<1x32xf32, #tpu.memory_space<vmem_shared>>) target_semaphore(%arg10 : memref<!tpu.dma_semaphore, #tpu.memory_space<semaphore_mem>>)
      %slice3A_118 = vector.extract_strided_slice %get3A_32 {offsets = [8], sizes = [1], strides = [1]} : vector<16xi32> to vector<1xi32>
      %squeeze3A_119 = vector.extract %slice3A_118[0] : i32 from vector<1xi32>
      %mul3A_120 = arith.constant 16 : i32
      %mul3A_121 = arith.muli %scan3A_27, %mul3A_120 : i32
      %add3A_122 = arith.addi %mul3A_4, %mul3A_121 : i32
      %add3A_123 = arith.constant 8 : i32
      %add3A_124 = arith.addi %add3A_122, %add3A_123 : i32
      %dma_start3A_125 = arith.constant 0 : i32
      %dma_start3A_126 = tpu.memref_slice %arg9[%add3A_124, %dma_start3A_125] : memref<8192x32xf32, #tpu.memory_space<vmem_shared>> -> memref<1x32xf32, #tpu.memory_space<vmem_shared>>
      %dma_start3A_127 = arith.constant 0 : i32
      %dma_start3A_128 = tpu.memref_slice %arg5[%squeeze3A_119, %dma_start3A_127] : memref<1000001x32xf32, #tpu.memory_space<hbm>> -> memref<1x32xf32, #tpu.memory_space<hbm>>
      tpu.enqueue_dma source(%dma_start3A_128 : memref<1x32xf32, #tpu.memory_space<hbm>>) target(%dma_start3A_126 : memref<1x32xf32, #tpu.memory_space<vmem_shared>>) target_semaphore(%arg10 : memref<!tpu.dma_semaphore, #tpu.memory_space<semaphore_mem>>)
      %slice3A_129 = vector.extract_strided_slice %get3A_32 {offsets = [9], sizes = [1], strides = [1]} : vector<16xi32> to vector<1xi32>
      %squeeze3A_130 = vector.extract %slice3A_129[0] : i32 from vector<1xi32>
      %mul3A_131 = arith.constant 16 : i32
      %mul3A_132 = arith.muli %scan3A_27, %mul3A_131 : i32
      %add3A_133 = arith.addi %mul3A_4, %mul3A_132 : i32
      %add3A_134 = arith.constant 9 : i32
      %add3A_135 = arith.addi %add3A_133, %add3A_134 : i32
      %dma_start3A_136 = arith.constant 0 : i32
      %dma_start3A_137 = tpu.memref_slice %arg9[%add3A_135, %dma_start3A_136] : memref<8192x32xf32, #tpu.memory_space<vmem_shared>> -> memref<1x32xf32, #tpu.memory_space<vmem_shared>>
      %dma_start3A_138 = arith.constant 0 : i32
      %dma_start3A_139 = tpu.memref_slice %arg5[%squeeze3A_130, %dma_start3A_138] : memref<1000001x32xf32, #tpu.memory_space<hbm>> -> memref<1x32xf32, #tpu.memory_space<hbm>>
      tpu.enqueue_dma source(%dma_start3A_139 : memref<1x32xf32, #tpu.memory_space<hbm>>) target(%dma_start3A_137 : memref<1x32xf32, #tpu.memory_space<vmem_shared>>) target_semaphore(%arg10 : memref<!tpu.dma_semaphore, #tpu.memory_space<semaphore_mem>>)
      %slice3A_140 = vector.extract_strided_slice %get3A_32 {offsets = [10], sizes = [1], strides = [1]} : vector<16xi32> to vector<1xi32>
      %squeeze3A_141 = vector.extract %slice3A_140[0] : i32 from vector<1xi32>
      %mul3A_142 = arith.constant 16 : i32
      %mul3A_143 = arith.muli %scan3A_27, %mul3A_142 : i32
      %add3A_144 = arith.addi %mul3A_4, %mul3A_143 : i32
      %add3A_145 = arith.constant 10 : i32
      %add3A_146 = arith.addi %add3A_144, %add3A_145 : i32
      %dma_start3A_147 = arith.constant 0 : i32
      %dma_start3A_148 = tpu.memref_slice %arg9[%add3A_146, %dma_start3A_147] : memref<8192x32xf32, #tpu.memory_space<vmem_shared>> -> memref<1x32xf32, #tpu.memory_space<vmem_shared>>
      %dma_start3A_149 = arith.constant 0 : i32
      %dma_start3A_150 = tpu.memref_slice %arg5[%squeeze3A_141, %dma_start3A_149] : memref<1000001x32xf32, #tpu.memory_space<hbm>> -> memref<1x32xf32, #tpu.memory_space<hbm>>
      tpu.enqueue_dma source(%dma_start3A_150 : memref<1x32xf32, #tpu.memory_space<hbm>>) target(%dma_start3A_148 : memref<1x32xf32, #tpu.memory_space<vmem_shared>>) target_semaphore(%arg10 : memref<!tpu.dma_semaphore, #tpu.memory_space<semaphore_mem>>)
      %slice3A_151 = vector.extract_strided_slice %get3A_32 {offsets = [11], sizes = [1], strides = [1]} : vector<16xi32> to vector<1xi32>
      %squeeze3A_152 = vector.extract %slice3A_151[0] : i32 from vector<1xi32>
      %mul3A_153 = arith.constant 16 : i32
      %mul3A_154 = arith.muli %scan3A_27, %mul3A_153 : i32
      %add3A_155 = arith.addi %mul3A_4, %mul3A_154 : i32
      %add3A_156 = arith.constant 11 : i32
      %add3A_157 = arith.addi %add3A_155, %add3A_156 : i32
      %dma_start3A_158 = arith.constant 0 : i32
      %dma_start3A_159 = tpu.memref_slice %arg9[%add3A_157, %dma_start3A_158] : memref<8192x32xf32, #tpu.memory_space<vmem_shared>> -> memref<1x32xf32, #tpu.memory_space<vmem_shared>>
      %dma_start3A_160 = arith.constant 0 : i32
      %dma_start3A_161 = tpu.memref_slice %arg5[%squeeze3A_152, %dma_start3A_160] : memref<1000001x32xf32, #tpu.memory_space<hbm>> -> memref<1x32xf32, #tpu.memory_space<hbm>>
      tpu.enqueue_dma source(%dma_start3A_161 : memref<1x32xf32, #tpu.memory_space<hbm>>) target(%dma_start3A_159 : memref<1x32xf32, #tpu.memory_space<vmem_shared>>) target_semaphore(%arg10 : memref<!tpu.dma_semaphore, #tpu.memory_space<semaphore_mem>>)
      %slice3A_162 = vector.extract_strided_slice %get3A_32 {offsets = [12], sizes = [1], strides = [1]} : vector<16xi32> to vector<1xi32>
      %squeeze3A_163 = vector.extract %slice3A_162[0] : i32 from vector<1xi32>
      %mul3A_164 = arith.constant 16 : i32
      %mul3A_165 = arith.muli %scan3A_27, %mul3A_164 : i32
      %add3A_166 = arith.addi %mul3A_4, %mul3A_165 : i32
      %add3A_167 = arith.constant 12 : i32
      %add3A_168 = arith.addi %add3A_166, %add3A_167 : i32
      %dma_start3A_169 = arith.constant 0 : i32
      %dma_start3A_170 = tpu.memref_slice %arg9[%add3A_168, %dma_start3A_169] : memref<8192x32xf32, #tpu.memory_space<vmem_shared>> -> memref<1x32xf32, #tpu.memory_space<vmem_shared>>
      %dma_start3A_171 = arith.constant 0 : i32
      %dma_start3A_172 = tpu.memref_slice %arg5[%squeeze3A_163, %dma_start3A_171] : memref<1000001x32xf32, #tpu.memory_space<hbm>> -> memref<1x32xf32, #tpu.memory_space<hbm>>
      tpu.enqueue_dma source(%dma_start3A_172 : memref<1x32xf32, #tpu.memory_space<hbm>>) target(%dma_start3A_170 : memref<1x32xf32, #tpu.memory_space<vmem_shared>>) target_semaphore(%arg10 : memref<!tpu.dma_semaphore, #tpu.memory_space<semaphore_mem>>)
      %slice3A_173 = vector.extract_strided_slice %get3A_32 {offsets = [13], sizes = [1], strides = [1]} : vector<16xi32> to vector<1xi32>
      %squeeze3A_174 = vector.extract %slice3A_173[0] : i32 from vector<1xi32>
      %mul3A_175 = arith.constant 16 : i32
      %mul3A_176 = arith.muli %scan3A_27, %mul3A_175 : i32
      %add3A_177 = arith.addi %mul3A_4, %mul3A_176 : i32
      %add3A_178 = arith.constant 13 : i32
      %add3A_179 = arith.addi %add3A_177, %add3A_178 : i32
      %dma_start3A_180 = arith.constant 0 : i32
      %dma_start3A_181 = tpu.memref_slice %arg9[%add3A_179, %dma_start3A_180] : memref<8192x32xf32, #tpu.memory_space<vmem_shared>> -> memref<1x32xf32, #tpu.memory_space<vmem_shared>>
      %dma_start3A_182 = arith.constant 0 : i32
      %dma_start3A_183 = tpu.memref_slice %arg5[%squeeze3A_174, %dma_start3A_182] : memref<1000001x32xf32, #tpu.memory_space<hbm>> -> memref<1x32xf32, #tpu.memory_space<hbm>>
      tpu.enqueue_dma source(%dma_start3A_183 : memref<1x32xf32, #tpu.memory_space<hbm>>) target(%dma_start3A_181 : memref<1x32xf32, #tpu.memory_space<vmem_shared>>) target_semaphore(%arg10 : memref<!tpu.dma_semaphore, #tpu.memory_space<semaphore_mem>>)
      %slice3A_184 = vector.extract_strided_slice %get3A_32 {offsets = [14], sizes = [1], strides = [1]} : vector<16xi32> to vector<1xi32>
      %squeeze3A_185 = vector.extract %slice3A_184[0] : i32 from vector<1xi32>
      %mul3A_186 = arith.constant 16 : i32
      %mul3A_187 = arith.muli %scan3A_27, %mul3A_186 : i32
      %add3A_188 = arith.addi %mul3A_4, %mul3A_187 : i32
      %add3A_189 = arith.constant 14 : i32
      %add3A_190 = arith.addi %add3A_188, %add3A_189 : i32
      %dma_start3A_191 = arith.constant 0 : i32
      %dma_start3A_192 = tpu.memref_slice %arg9[%add3A_190, %dma_start3A_191] : memref<8192x32xf32, #tpu.memory_space<vmem_shared>> -> memref<1x32xf32, #tpu.memory_space<vmem_shared>>
      %dma_start3A_193 = arith.constant 0 : i32
      %dma_start3A_194 = tpu.memref_slice %arg5[%squeeze3A_185, %dma_start3A_193] : memref<1000001x32xf32, #tpu.memory_space<hbm>> -> memref<1x32xf32, #tpu.memory_space<hbm>>
      tpu.enqueue_dma source(%dma_start3A_194 : memref<1x32xf32, #tpu.memory_space<hbm>>) target(%dma_start3A_192 : memref<1x32xf32, #tpu.memory_space<vmem_shared>>) target_semaphore(%arg10 : memref<!tpu.dma_semaphore, #tpu.memory_space<semaphore_mem>>)
      %slice3A_195 = vector.extract_strided_slice %get3A_32 {offsets = [15], sizes = [1], strides = [1]} : vector<16xi32> to vector<1xi32>
      %squeeze3A_196 = vector.extract %slice3A_195[0] : i32 from vector<1xi32>
      %mul3A_197 = arith.constant 16 : i32
      %mul3A_198 = arith.muli %scan3A_27, %mul3A_197 : i32
      %add3A_199 = arith.addi %mul3A_4, %mul3A_198 : i32
      %add3A_200 = arith.constant 15 : i32
      %add3A_201 = arith.addi %add3A_199, %add3A_200 : i32
      %dma_start3A_202 = arith.constant 0 : i32
      %dma_start3A_203 = tpu.memref_slice %arg9[%add3A_201, %dma_start3A_202] : memref<8192x32xf32, #tpu.memory_space<vmem_shared>> -> memref<1x32xf32, #tpu.memory_space<vmem_shared>>
      %dma_start3A_204 = arith.constant 0 : i32
      %dma_start3A_205 = tpu.memref_slice %arg5[%squeeze3A_196, %dma_start3A_204] : memref<1000001x32xf32, #tpu.memory_space<hbm>> -> memref<1x32xf32, #tpu.memory_space<hbm>>
      tpu.enqueue_dma source(%dma_start3A_205 : memref<1x32xf32, #tpu.memory_space<hbm>>) target(%dma_start3A_203 : memref<1x32xf32, #tpu.memory_space<vmem_shared>>) target_semaphore(%arg10 : memref<!tpu.dma_semaphore, #tpu.memory_space<semaphore_mem>>)
      %scan3A_206 = arith.constant 0 : i32
      scf.yield %scan3A_206 : i32
    }
    %scan3A_21 = arith.constant 32 : i32
    %dma_wait3A_22 = arith.constant 0 : i32
    %dma_wait3A_23 = tpu.memref_slice %arg9[%mul3A_4, %dma_wait3A_22] : memref<8192x32xf32, #tpu.memory_space<vmem_shared>> -> memref<512x32xf32, #tpu.memory_space<vmem_shared>>
    %dma_wait3A_24 = arith.constant 0 : i32
    %dma_wait3A_25 = arith.constant 0 : i32
    %dma_wait3A_26 = tpu.memref_slice %arg5[%dma_wait3A_24, %dma_wait3A_25] : memref<1000001x32xf32, #tpu.memory_space<hbm>> -> memref<512x32xf32, #tpu.memory_space<hbm>>
    tpu.wait_dma2 semaphore(%arg10 : memref<!tpu.dma_semaphore, #tpu.memory_space<semaphore_mem>>) src(%dma_wait3A_26 : memref<512x32xf32, #tpu.memory_space<hbm>>) dst(%dma_wait3A_23 : memref<512x32xf32, #tpu.memory_space<vmem_shared>>)
    "tpu.region"() ({
      %run_scoped3A = tpu.sem_alloc : memref<!tpu.dma_semaphore, #tpu.memory_space<semaphore_mem>>
      %dma_start3A = arith.constant 0 : i32
      %dma_start3A_27 = tpu.memref_slice %arg7[%mul3A_2, %dma_start3A] : memref<16384x32xf32, #tpu.memory_space<hbm>> -> memref<512x32xf32, #tpu.memory_space<hbm>>
      %dma_start3A_28 = arith.constant 0 : i32
      %dma_start3A_29 = tpu.memref_slice %arg9[%mul3A_4, %dma_start3A_28] : memref<8192x32xf32, #tpu.memory_space<vmem_shared>> -> memref<512x32xf32, #tpu.memory_space<vmem_shared>>
      tpu.enqueue_dma source(%dma_start3A_29 : memref<512x32xf32, #tpu.memory_space<vmem_shared>>) target(%dma_start3A_27 : memref<512x32xf32, #tpu.memory_space<hbm>>) target_semaphore(%run_scoped3A : memref<!tpu.dma_semaphore, #tpu.memory_space<semaphore_mem>>)
      %dma_wait3A_30 = arith.constant 0 : i32
      %dma_wait3A_31 = tpu.memref_slice %arg7[%mul3A_2, %dma_wait3A_30] : memref<16384x32xf32, #tpu.memory_space<hbm>> -> memref<512x32xf32, #tpu.memory_space<hbm>>
      %dma_wait3A_32 = arith.constant 0 : i32
      %dma_wait3A_33 = tpu.memref_slice %arg9[%mul3A_4, %dma_wait3A_32] : memref<8192x32xf32, #tpu.memory_space<vmem_shared>> -> memref<512x32xf32, #tpu.memory_space<vmem_shared>>
      tpu.wait_dma2 semaphore(%run_scoped3A : memref<!tpu.dma_semaphore, #tpu.memory_space<semaphore_mem>>) src(%dma_wait3A_33 : memref<512x32xf32, #tpu.memory_space<vmem_shared>>) dst(%dma_wait3A_31 : memref<512x32xf32, #tpu.memory_space<hbm>>)
      tpu.yield
    }) : () -> ()
    return
  }
}

</mosaic_0001>

<sc_bundles>
// kernel: kernel.3.cloned.1.call-start
scs
__scs_entry_jumppad:
0x0: {  	(pc) =	sbr.rel $0x88, $3  }
0x1: {  	(tag) =	ssettag $0x0;
	lr =	simm.s32 $0x1  }
0x2: {  	[smem:$0x3F9D] =	sst lr;
	_ =	strace $0xD0000000  }
0x3: {  	_ = 	snop  }
0x4: {  	_ = 	snop  }
0x5: {  	_ = 	snop  }
0x6: {  	_ = 	snop  }
0x7: {  	_ = 	snop  }
__scs_overlays_trampoline_lowered:
0x8: {  	[smem:$0x3FAC] =	sst s0  }
0x9: {  	[smem:$0x3FAD] =	sst s1  }
0xa: {  	[smem:$0x3FAE] =	sst s2  }
0xb: {  	[smem:$0x3FAF] =	sst s3  }
0xc: {  	[smem:$0x3FB0] =	sst s4  }
0xd: {  	[smem:$0x3FB1] =	sst s5  }
0xe: {  	[smem:$0x3FB2] =	sst s6  }
0xf: {  	[smem:$0x3FB3] =	sst s7  }
0x10: {  	[smem:$0x3FB4] =	sst s8  }
0x11: {  	[smem:$0x3FB5] =	sst s9;
	s0 =	simm.s32 @!p0 $0x0  }
0x12: {  	s1 =	sld [smem:$0x3F9B];
	s0 =	simm.s32 @p0 $0x1  }
0x13: {  	[smem:$0x3FB6] =	sst s0;
	s0 =	simm.s32 @!p1 $0x0  }
0x14: {  	s2 =	sld [smem:$0x3F9A];
	s0 =	simm.s32 @p1 $0x1  }
0x15: {  	[smem:$0x3FB7] =	sst s0;
	s0 =	simm.s32 @!p2 $0x0  }
0x16: {  	s3 =	sld [smem:$0x3FDB];
	s0 =	simm.s32 @p2 $0x1  }
0x17: {  	s4 =	simm.s32 $0x1BF5;
	[smem:$0x3FB9] =	sst s0  }
0x18: {  	s0 =	sld [smem:$0x3F9C];
	_ =	swait.ge [sflag:s4], $0x0  }
0x19: {  	s7 =	sld [smem:$0x3F9D]  }
0x1a: {  	s8 =	sadd.s32 $0xFFFFE003, lr  }
0x1b: {  	s9 =	sadd.s32 $0xFFFFFEF7, lr;
	s5 =	simm.s32 $0xFFFFFFFF;
	p2 =	slt.u32 s8, $0xFFFFF086  }
0x1c: {  	p1 =	slt.u32 s9, $0xF7A;
	s5 =	simm.s32 @!p2 $0x0  }
0x1d: {  	s5 =	simm.s32 @p1 $0x1;
	p0 =	seq.s32 s7, s2  }
0x1e: {  	s7 =	smul.u32 @!p0 $0xF7A, s2;
	p2 =	seq.s32 @!p0 s5, $0x0  }
0x1f: {  	s9 =	smul.u32 $0xF7A, s1;
	s8 =	simm.s32 @!p0 $0x1BF5;
	p2 =	por !p2, p0  }
0x20: {  	[sflag:s8] =	ssyncset.s32 @!p0 $0xFFFFF086;
	s6 =	sadd.s32 @!p0 s3, s7;
	s7 =	simm.s32 @!p0 $0x108  }
0x21: {  	s3 =	sadd.s32 s3, s9;
	s6 =	sadd.s32 @!p0 $0x88, s6;
	s7 =	simm.s32 @p2 $0x1082  }
0x22: {  	[simem:s7], [sflag:s8] =	dma.local @!p0 [hbm:s6], $0xF7A  }
0x23: {  	s9 =	sor.u32 $0xD0000000, s2;
	s6 =	simm.s32 $0x108;
	_ =	swait.ge @!p0 [sflag:s8], $0x0  }
0x24: {  	s3 =	sadd.s32 $0x88, s3;
	s6 =	simm.s32 @!p1 $0x1082;
	[sflag:s4] =	ssyncset.s32 $0xFFFFF086  }
0x25: {  	[simem:s6], [sflag:s4] =	dma.local [hbm:s3], $0xF7A  }
0x26: {  	[smem:$0x3F9D] =	sst s1;
	(tag) =	ssettag s2;
	_ =	strace s9  }
0x27: {  	s1 =	sld [smem:$0x3FAD]  }
0x28: {  	s2 =	sld [smem:$0x3FAE]  }
0x29: {  	s4 =	sld [smem:$0x3FB0]  }
0x2a: {  	p0 =	seq.s32 s5, $0x0;
	s5 =	sld [smem:$0x3FB1]  }
0x2b: {  	s6 =	sld [smem:$0x3FB2]  }
0x2c: {  	s7 =	sld [smem:$0x3FB3]  }
0x2d: {  	s3 =	simm.s32 $0x108;
	s8 =	sld [smem:$0x3FB4]  }
0x2e: {  	s3 =	simm.s32 @!p0 $0x1082;
	s9 =	sld [smem:$0x3FB5]  }
0x2f: {  	lr =	sadd.s32 s0, s3;
	s0 =	sld [smem:$0x3FAC]  }
0x30: {  	s3 =	sld [smem:$0x3FAF]  }
0x31: {  	[smem:$0x3FB8] =	sst s10  }
0x32: {  	s10 =	sld [smem:$0x3FB6];
	_ =	sdelay $0x3  }
0x33: {  	p0 =	seq.s32 s10, $0x1;
	s10 =	sld [smem:$0x3FB8];
	_ =	sdelay $0x3  }
0x34: {  	[smem:$0x3FB8] =	sst s10  }
0x35: {  	s10 =	sld [smem:$0x3FB7];
	_ =	sdelay $0x3  }
0x36: {  	p1 =	seq.s32 s10, $0x1;
	s10 =	sld [smem:$0x3FB8];
	_ =	sdelay $0x3  }
0x37: {  	[smem:$0x3FB8] =	sst s10  }
0x38: {  	s10 =	sld [smem:$0x3FB9]  }
0x39: {  	_ = 	snop;
	(pc) =	sbr.ind lr, $3  }
0x3a: {  	_ = 	snop  }
0x3b: {  	_ = 	snop  }
0x3c: {  	p2 =	seq.s32 s10, $0x1;
	s10 =	sld [smem:$0x3FB8]  }
0x3d: {  	_ =	shalt  }
0x3e: {  	_ =	shalt  }
0x3f: {  	_ =	shalt  }
0x40: {  	_ =	shalt  }
0x41: {  	_ =	shalt  }
0x42: {  	_ =	shalt  }
0x43: {  	_ =	shalt  }
0x44: {  	_ =	shalt  }
0x45: {  	_ =	shalt  }
0x46: {  	_ =	shalt  }
0x47: {  	_ =	shalt  }
0x48: {  	_ =	shalt  }
0x49: {  	_ =	shalt  }
0x4a: {  	_ =	shalt  }
0x4b: {  	_ =	shalt  }
0x4c: {  	_ =	shalt  }
0x4d: {  	_ =	shalt  }
0x4e: {  	_ =	shalt  }
0x4f: {  	_ =	shalt  }
0x50: {  	_ =	shalt  }
0x51: {  	_ =	shalt  }
0x52: {  	_ =	shalt  }
0x53: {  	_ =	shalt  }
0x54: {  	_ =	shalt  }
0x55: {  	_ =	shalt  }
0x56: {  	_ =	shalt  }
0x57: {  	_ =	shalt  }
0x58: {  	_ =	shalt  }
0x59: {  	_ =	shalt  }
0x5a: {  	_ =	shalt  }
0x5b: {  	_ =	shalt  }
0x5c: {  	_ =	shalt  }
0x5d: {  	_ =	shalt  }
0x5e: {  	_ =	shalt  }
0x5f: {  	_ =	shalt  }
0x60: {  	_ =	shalt  }
0x61: {  	_ =	shalt  }
0x62: {  	_ =	shalt  }
0x63: {  	_ =	shalt  }
0x64: {  	_ =	shalt  }
0x65: {  	_ =	shalt  }
0x66: {  	_ =	shalt  }
0x67: {  	_ =	shalt  }
0x68: {  	_ =	shalt  }
0x69: {  	_ =	shalt  }
0x6a: {  	_ =	shalt  }
0x6b: {  	_ =	shalt  }
0x6c: {  	_ =	shalt  }
0x6d: {  	_ =	shalt  }
0x6e: {  	_ =	shalt  }
0x6f: {  	_ =	shalt  }
0x70: {  	_ =	shalt  }
0x71: {  	_ =	shalt  }
0x72: {  	_ =	shalt  }
0x73: {  	_ =	shalt  }
0x74: {  	_ =	shalt  }
0x75: {  	_ =	shalt  }
0x76: {  	_ =	shalt  }
0x77: {  	_ =	shalt  }
0x78: {  	_ =	shalt  }
0x79: {  	_ =	shalt  }
0x7a: {  	_ =	shalt  }
0x7b: {  	_ =	shalt  }
0x7c: {  	_ =	shalt  }
0x7d: {  	_ =	shalt  }
0x7e: {  	_ =	shalt  }
0x7f: {  	_ =	shalt  }
0x80: {  	_ =	shalt  }
0x81: {  	_ =	shalt  }
0x82: {  	_ =	shalt  }
0x83: {  	_ =	shalt  }
0x84: {  	_ =	shalt  }
0x85: {  	_ =	shalt  }
0x86: {  	_ =	shalt  }
0x87: {  	_ =	shalt  }
.Lfunc_end0:
.L_simem_size_0:
called_computation_lowered:
.L_overlay_start_0:
0x88: {  	s2 =	sld [smem:$0x3FD9]  }
0x89: {  	s3 =	sld [smem:$0x3FFE];
	_ =	sdelay $0x1  }
0x8a: {  	s1 =	srdreg.scid  }
0x8b: {  	s0 =	sand.u32 $0x1, s1  }
0x8c: {  	s17 =	sshll.u32 s0, $0xA;
	s2 =	sadd.s32 s3, s2  }
0x8d: {  	s2 =	sadd.s32 s2, s17  }
0x8e: {  	[smem:$0x3FC4] =	sst s2  }
0x8f: {  	_ = 	snop  }
0x90: {  	s2 =	sld [smem:$0x3FC9]  }
0x91: {  	s18 =	sld [smem:$0x3FC8];
	(tm) =	ssettm $0x1  }
0x92: {  	s4 =	sld [smem:$0x3FFB];
	_ =	sdelay $0x3  }
0x93: {  	_ =	strace s4  }
0x94: {  	s4 =	sld [smem:$0x3FFC];
	_ =	sdelay $0x3  }
0x95: {  	_ =	strace s4  }
0x96: {  	s4 =	sld [smem:$0x3FFD];
	_ =	sdelay $0x3  }
0x97: {  	_ =	strace s4  }
0x98: {  	_ =	strace $0x8FFFFFFF  }
0x99: {  	s19 =	sld [smem:$0x3FDB];
	_ =	sdelay $0x1  }
0x9a: {  	s5 =	simm.s32 $_scs_section_size  }
0x9b: {  	s6 =	simm.s32 $_size__tile_overlayer_lowered;
	s7 =	simm.s32 $_tile_overlayer_lowered  }
0x9c: {  	s22 =	simm.s32 $0x1BFF;
	s21 =	sshll.u32 s7, $0x1;
	s4 =	sadd.s32 s5, s19  }
0x9d: {  	s8 =	simm.s32 $0x0;
	s20 =	sshll.u32 s6, $0x1;
	s6 =	sadd.s32 s21, s4  }
0x9e: {  	[timem:s8], [sflag:s22] =	dma.local [hbm:s6], s20  }
0x9f: {  	_ =	swait.ge [sflag:s22], s20  }
0xa0: {  	s5 =	ssub.s32 $0x0, s20;
	[sflag:s22] =	ssyncset.done $0x0  }
0xa1: {  	[sflag:s22] =	ssyncadd.s32 s5;
	_ =	sdelay $0x1  }
0xa2: {  	s23 =	simm.s32 $0x1B8B  }
0xa3: {  	_ =	swait.ge [sflag:s23], $0x1  }
0xa4: {  	[sflag:s23] =	ssyncset.done $0x0  }
0xa5: {  	s25 =	simm.s32 $0x1B8E;
	s24 =	sld [smem:$0x3FFE];
	[sflag:s23] =	ssyncadd.s32 $0xFFFFFFFF  }
0xa6: {  	s26 =	simm.s32 $execute0_lowered;
	[smem:$0x3FD2] =	sst s25  }
0xa7: {  	s6 =	sshll.u32 s26, $0x1;
	_ =	strace $0x80000046;
	[dreg:$0x1] =	wrdreg $0xFFFFFFFF  }
0xa8: {  	s28 =	simm.s32 $_size_execute0_lowered;
	s4 =	sadd.s32 s4, s6;
	[dreg:$0x0] =	wrdreg $0x0  }
0xa9: {  	s6 =	sshll.u32 s28, $0x1;
	[dreg:$0x2] =	wrdreg s4  }
0xaa: {  	[dreg:$0x3] =	wrdreg s6  }
0xab: {  	[dreg:$0x4] =	wrdreg $0xC0  }
0xac: {  	_ =	task [dreg:s8], $0x5FFFF  }
0xad: {  	[dreg:$0x1] =	wrdreg $0xFFFFFFFF  }
0xae: {  	[dreg:$0x0] =	wrdreg $0x60  }
0xaf: {  	[dreg:$0x2] =	wrdreg s2  }
0xb0: {  	[dreg:$0x3] =	wrdreg s18  }
0xb1: {  	[dreg:$0x4] =	wrdreg s24  }
0xb2: {  	[dreg:$0x5] =	wrdreg $0x2000  }
0xb3: {  	[dreg:$0x6] =	wrdreg $0x9  }
0xb4: {  	_ =	task.clear_ibuf [dreg:s8], $0x7FFFF;
	_ =	strace $0x90000046  }
0xb5: {  	s29 =	simm.s32 $0x9;
	_ =	strace $0x80000048  }
0xb6: {  	_ =	swait.ge [sflag:s29], $0x1  }
0xb7: {  	[sflag:s29] =	ssyncadd.s32 $0xFFFFFFFF  }
0xb8: {  	_ =	strace $0x90000048  }
0xb9: {  	_ =	sfence  }
0xba: {  	s30 =	sld [smem:$0x0];
	_ =	sdelay $0x2  }
0xbb: {  	s31 =	sshll.u32 s1, $0xD;
	s1 =	sshrl.u32 s1, $0x2  }
0xbc: {  	s3 =	sand.u32 $0x4000, s31;
	s1 =	sadd.s32 s1, s30  }
0xbd: {  	s0 =	sor.u32 s3, s0;
	s1 =	sshll.u32 s1, $0x11  }
0xbe: {  	s0 =	sor.u32 s1, s0  }
0xbf: {  	s0 =	sadd.s32 $0x8F2B, s0  }
0xc0: {  	[sflag:s0] =	ssyncadd.remote.s32 $0x1  }
0xc1: {  	_ =	sfence.sel $0xFFFF  }
0xc2: {  	[dreg:$0x0] =	wrdreg $0xFFFFFFFF;
	(pc) =	sbr.abs _section_cstart, $3  }
0xc3: {  	[dreg:$0x1] =	wrdreg $0xFFFFFFFF  }
0xc4: {  	_ =	task.clear_ibuf [dreg:s8], $0x2FFFF;
	_ =	strace $0x9FFFFFFF  }
0xc5: {  	(tm) =	ssettm $0x7FFFFFFF  }
tec
execute0_lowered:
.L_overlay_start_1:
0x0: {  	(tag) =	ssettag $0x1  }
0x1: {  	s0 =	rddreg [dreg:$0x0]  }
0x2: {  	s1 =	rddreg [dreg:$0x1]  }
0x3: {  	s5 =	rddreg [dreg:$0x2]  }
0x4: {  	s7 =	rddreg [dreg:$0x3];
	s3 =	srdreg.scid;
	s4 =	simm.s32 $0x0  }
0x5: {  	s2 =	stileid.u32;
	s6 =	sand.u32 $0x1, s3;
	[smem:$0x7FF] =	sst s4  }
0x6: {  	s20 =	sshll.u32 s2, $0xA;
	s8 =	sadd.s32 $0x800, s5;
	s24 =	sadd.s32 $0xF42E00, s5  }
0x7: {  	s23 =	sshll.u32 s2, $0x10;
	s3 =	sshll.u32 s6, $0x9;
	_ =	strace $0x80000047  }
0x8: {  	[dreg:$0x10] =	wrdreg s8;
	s6 =	ssub.s32 $0x2, s6;
	s3 =	sor.u32 s3, s20  }
0x9: {  	[dreg:$0x11] =	wrdreg s24;
	s20 =	sadd.s32 s23, s7;
	s21 =	sshll.u32 s3, $0x4  }
0xa: {  	s3 =	sshrl.u32 s3, $0x3;
	s31 =	sshrl.u32 s20, $0x3;
	[dreg:$0x5] =	wrdreg s20  }
0xb: {  	s22 =	sshrl.u32 s6, $0x1;
	s0 =	sadd.s32 s0, s3;
	[dreg:$0x18] =	wrdreg s31  }
0xc: {  	s10 =	ssub.s32 s6, s22;
	s26 =	sadd.s32 s1, s3;
	[dreg:$0x12] =	wrdreg s0  }
0xd: {  	s5 =	sadd.s32 s21, s5;
	s29 =	smax.u32 s10, $0x1;
	[dreg:$0x14] =	wrdreg s26  }
0xe: {  	s25 =	sadd.s32 $0x1E85400, s5;
	[dreg:$0x16] =	wrdreg s29  }
0xf: {  	s30 =	sshll.u32 s2, $0x6;
	s28 =	sadd.s32 $0x1EC5400, s5;
	[dreg:$0x13] =	wrdreg s25  }
0x10: {  	s2 =	simm.s32 $0x2;
	s0 =	sor.u32 $0x1C02, s30;
	[dreg:$0x15] =	wrdreg s28  }
0x11: {  	s12 =	sor.u32 $0x1C01, s30;
	s1 =	simm.s32 $0x0;
	[dreg:$0x17] =	wrdreg s0  }
.LBB2_1:
0x12: {  	[dreg:$0x19] =	wrdreg s1  }
0x13: {  	s0 =	simm.s32 $0x0;
	s31 =	rddreg [dreg:$0x12]  }
0x14: {  	[tilespmem:s0], [sflag:$0x2] =	stream.linear.gather [hbm4b:s31+s0], $0x200, $0x38;
	[tilespmem:$0x4200] =	vst v63  }
0x15: {  	_ =	swait.ge [sflag:s2], $0x200  }
0x16: {  	s17 =	simm.s32 $0x2000;
	s19 =	simm.s32 $0x0;
	[sflag:s2] =	ssyncset.done $0x0  }
0x17: {  	s18 =	simm.s32 $0x0;
	s4 =	rddreg [dreg:$0x10];
	[sflag:s2] =	ssyncadd.s32 $0xFFFFFE00  }
.LBB2_2:
0x18: {  	v0 =	vld [tilespmem:s18+$0x0];
	_ =	sdelay $0x4  }
0x19: {  	v0 =	vshll.u32 v0, $0x4  }
0x1a: {  	(v2sf) =	vpush v0, $0xC  }
0x1b: {  	(v2sf) =	vpush v0, $0xF  }
0x1c: {  	(v2sf) =	vpush v0, $0x1  }
0x1d: {  	(v2sf) =	vpush v0, $0xB  }
0x1e: {  	(v2sf) =	vpush v0, $0x9  }
0x1f: {  	s19 =	sadd.s32 s19, s20;
	(v2sf) =	vpush v0, $0x2  }
0x20: {  	s29 =	smov.u32 s17;
	s1 =	sadd.s32 $0x80, s19;
	s6 =	sadd.s32 $0x100, s19;
	(v2sf) =	vpush v0, $0x0  }
0x21: {  	s3 =	sadd.s32 $0x180, s19;
	s5 =	sadd.s32 $0x200, s19;
	s0 =	sadd.s32 $0x280, s19;
	(v2sf) =	vpush v0, $0x4  }
0x22: {  	s30 =	sadd.s32 $0x300, s19;
	s8 =	sadd.s32 $0x380, s19;
	s25 =	sadd.s32 $0x400, s19;
	(v2sf) =	vpush v0, $0xA  }
0x23: {  	s26 =	sadd.s32 $0x480, s19;
	s31 =	sadd.s32 $0x500, s19;
	s22 =	sadd.s32 $0x580, s19;
	(v2sf) =	vpush v0, $0x8  }
0x24: {  	s23 =	sadd.s32 $0x600, s19;
	s28 =	sadd.s32 $0x680, s19;
	s20 =	sadd.s32 $0x700, s19;
	(v2sf) =	vpush v0, $0x7  }
0x25: {  	s24 =	sadd.s32 $0x780, s19;
	s11 =	sshrl.u32 s19, $0x3;
	s19 =	sshra.s32 s29, $0x2;
	(v2sf) =	vpush v0, $0x5  }
0x26: {  	s2 =	sshrl.u32 s20, $0x3;
	s13 =	sshrl.u32 s24, $0x3;
	s14 =	sshrl.u32 s22, $0x3;
	(v2sf) =	vpush v0, $0x6  }
0x27: {  	s15 =	sshrl.u32 s23, $0x3;
	s16 =	sshrl.u32 s28, $0x3;
	s28 =	sshrl.u32 s25, $0x3;
	(v2sf) =	vpush v0, $0xD  }
0x28: {  	s26 =	sshrl.u32 s26, $0x3;
	s25 =	sshrl.u32 s31, $0x3;
	s31 =	sshrl.u32 s30, $0x3;
	(v2sf) =	vpush v0, $0xE  }
0x29: {  	s30 =	sshrl.u32 s8, $0x3;
	[dreg:$0x8] =	wrdreg s2;
	s20 =	spop (v2sf)  }
0x2a: {  	s24 =	sshrl.u32 s0, $0x3;
	[dreg:$0x6] =	wrdreg s13;
	(v2sf) =	vpush v0, $0x3;
	s9 =	spop (v2sf)  }
0x2b: {  	s23 =	sshrl.u32 s5, $0x3;
	[dreg:$0xe] =	wrdreg s14;
	s10 =	spop (v2sf)  }
0x2c: {  	s22 =	sshrl.u32 s3, $0x3;
	[dreg:$0xc] =	wrdreg s15;
	s14 =	spop (v2sf)  }
0x2d: {  	[dreg:$0xa] =	wrdreg s16;
	s13 =	sshrl.u32 s1, $0x3;
	s15 =	spop (v2sf)  }
0x2e: {  	s8 =	sand.u32 $0x1FFFFFF0, s20;
	s20 =	sshrl.u32 s6, $0x3;
	s21 =	spop (v2sf)  }
0x2f: {  	s9 =	sand.u32 $0x1FFFFFF0, s9;
	s10 =	sand.u32 $0x1FFFFFF0, s10;
	s0 =	spop (v2sf)  }
0x30: {  	s14 =	sand.u32 $0x1FFFFFF0, s14;
	s10 =	sadd.s32 s4, s10;
	s2 =	spop (v2sf)  }
0x31: {  	s15 =	sand.u32 $0x1FFFFFF0, s15;
	s16 =	sand.u32 $0x1FFFFFF0, s21;
	s3 =	spop (v2sf)  }
0x32: {  	s15 =	sadd.s32 s4, s15;
	s1 =	sand.u32 $0x1FFFFFF0, s0;
	s5 =	spop (v2sf)  }
0x33: {  	s16 =	sadd.s32 s4, s16;
	s6 =	sadd.s32 s4, s1;
	s7 =	spop (v2sf)  }
0x34: {  	s29 =	sand.u32 $0x1FFFFFF0, s2;
	s1 =	sadd.s32 s4, s9;
	s21 =	spop (v2sf)  }
0x35: {  	s0 =	sand.u32 $0x1FFFFFF0, s3;
	s3 =	sand.u32 $0x1FFFFFF0, s7;
	s7 =	spop (v2sf)  }
0x36: {  	s29 =	sadd.s32 s4, s29;
	s9 =	sand.u32 $0x1FFFFFF0, s5;
	s5 =	spop (v2sf)  }
0x37: {  	s0 =	sadd.s32 s4, s0;
	s9 =	sadd.s32 s4, s9;
	s2 =	spop (v2sf)  }
0x38: {  	[spmem:s11], [sflag:s12] =	dma.local [hbm:s6], $0x10  }
0x39: {  	s21 =	sand.u32 $0x1FFFFFF0, s21;
	s3 =	sadd.s32 s4, s3;
	s11 =	spop (v2sf)  }
0x3a: {  	s21 =	sadd.s32 s4, s21;
	s7 =	sand.u32 $0x1FFFFFF0, s7;
	s11 =	sand.u32 $0x1FFFFFF0, s11  }
0x3b: {  	[spmem:s13], [sflag:s12] =	dma.local [hbm:s10], $0x10  }
0x3c: {  	[spmem:s20], [sflag:s12] =	dma.local [hbm:s16], $0x10  }
0x3d: {  	s7 =	sadd.s32 s4, s7;
	s11 =	sadd.s32 s4, s11;
	s20 =	rddreg [dreg:$0x5]  }
0x3e: {  	[spmem:s22], [sflag:s12] =	dma.local [hbm:s11], $0x10  }
0x3f: {  	[spmem:s23], [sflag:s12] =	dma.local [hbm:s29], $0x10  }
0x40: {  	[spmem:s24], [sflag:s12] =	dma.local [hbm:s21], $0x10  }
0x41: {  	[spmem:s31], [sflag:s12] =	dma.local [hbm:s7], $0x10  }
0x42: {  	[spmem:s30], [sflag:s12] =	dma.local [hbm:s3], $0x10  }
0x43: {  	[spmem:s28], [sflag:s12] =	dma.local [hbm:s9], $0x10  }
0x44: {  	[spmem:s26], [sflag:s12] =	dma.local [hbm:s15], $0x10  }
0x45: {  	[spmem:s25], [sflag:s12] =	dma.local [hbm:s0], $0x10  }
0x46: {  	s6 =	sadd.s32 s4, s14;
	s0 =	rddreg [dreg:$0xe]  }
0x47: {  	[spmem:s0], [sflag:s12] =	dma.local [hbm:s6], $0x10  }
0x48: {  	s8 =	sadd.s32 s4, s8;
	s5 =	sand.u32 $0x1FFFFFF0, s5;
	s0 =	rddreg [dreg:$0xc]  }
0x49: {  	[spmem:s0], [sflag:s12] =	dma.local [hbm:s8], $0x10  }
0x4a: {  	p0 =	sne.s32 s17, $0x3E000;
	s5 =	sadd.s32 s4, s5;
	s0 =	rddreg [dreg:$0xa]  }
0x4b: {  	[spmem:s0], [sflag:s12] =	dma.local [hbm:s5], $0x10  }
.Ltmp0:
0x4c: {  	s2 =	sand.u32 $0x1FFFFFF0, s2;
	(pc) =	sbr.rel @p0 .LBB2_2-.Ltmp0, $4  }
0x4d: {  	s2 =	sadd.s32 s4, s2;
	s0 =	rddreg [dreg:$0x8]  }
0x4e: {  	[spmem:s0], [sflag:s12] =	dma.local [hbm:s2], $0x10  }
0x4f: {  	s18 =	sadd.s32 $0x10, s18;
	s17 =	sadd.s32 $0x2000, s17;
	s0 =	rddreg [dreg:$0x6]  }
0x50: {  	[spmem:s0], [sflag:s12] =	dma.local [hbm:s1], $0x10  }
0x51: {  	v0 =	vld [tilespmem:s18+$0x0];
	_ =	sdelay $0x4  }
0x52: {  	v0 =	vshll.u32 v0, $0x4  }
0x53: {  	(v2sf) =	vpush v0, $0xC  }
0x54: {  	(v2sf) =	vpush v0, $0xF  }
0x55: {  	(v2sf) =	vpush v0, $0x1  }
0x56: {  	(v2sf) =	vpush v0, $0xB  }
0x57: {  	(v2sf) =	vpush v0, $0x9  }
0x58: {  	(v2sf) =	vpush v0, $0x2  }
0x59: {  	(v2sf) =	vpush v0, $0x0  }
0x5a: {  	(v2sf) =	vpush v0, $0x4  }
0x5b: {  	(v2sf) =	vpush v0, $0xA  }
0x5c: {  	(v2sf) =	vpush v0, $0x8  }
0x5d: {  	(v2sf) =	vpush v0, $0x7  }
0x5e: {  	(v2sf) =	vpush v0, $0x5  }
0x5f: {  	(v2sf) =	vpush v0, $0x6  }
0x60: {  	(v2sf) =	vpush v0, $0xD  }
0x61: {  	(v2sf) =	vpush v0, $0xE  }
0x62: {  	s1 =	spop (v2sf)  }
0x63: {  	(v2sf) =	vpush v0, $0x3;
	s17 =	spop (v2sf)  }
0x64: {  	s2 =	spop (v2sf)  }
0x65: {  	s5 =	spop (v2sf)  }
0x66: {  	s0 =	sadd.s32 s19, s20;
	s7 =	spop (v2sf)  }
0x67: {  	s16 =	sshrl.u32 s0, $0x3;
	s18 =	sadd.s32 $0x80, s0;
	s8 =	spop (v2sf)  }
0x68: {  	s19 =	sadd.s32 $0x100, s0;
	s21 =	sadd.s32 $0x180, s0;
	s3 =	spop (v2sf)  }
0x69: {  	s23 =	sadd.s32 $0x200, s0;
	s25 =	sadd.s32 $0x280, s0;
	s9 =	spop (v2sf)  }
0x6a: {  	s28 =	sadd.s32 $0x300, s0;
	s30 =	sadd.s32 $0x380, s0;
	s10 =	spop (v2sf)  }
0x6b: {  	s1 =	sand.u32 $0x1FFFFFF0, s1;
	s2 =	sand.u32 $0x1FFFFFF0, s2;
	s11 =	spop (v2sf)  }
0x6c: {  	s1 =	sadd.s32 s4, s1;
	s2 =	sadd.s32 s4, s2;
	s13 =	spop (v2sf)  }
0x6d: {  	s5 =	sand.u32 $0x1FFFFFF0, s5;
	s7 =	sand.u32 $0x1FFFFFF0, s7;
	s14 =	spop (v2sf)  }
0x6e: {  	s5 =	sadd.s32 s4, s5;
	s8 =	sand.u32 $0x1FFFFFF0, s8;
	s15 =	spop (v2sf)  }
0x6f: {  	s7 =	sadd.s32 s4, s7;
	s6 =	sand.u32 $0x1FFFFFF0, s3;
	s3 =	spop (v2sf)  }
0x70: {  	s8 =	sadd.s32 s4, s8;
	s31 =	sadd.s32 s4, s6;
	s6 =	spop (v2sf)  }
0x71: {  	[spmem:s16], [sflag:s12] =	dma.local [hbm:s31], $0x10  }
0x72: {  	s24 =	sand.u32 $0x1FFFFFF0, s9;
	s16 =	sshrl.u32 s18, $0x3;
	s18 =	spop (v2sf)  }
0x73: {  	[spmem:s16], [sflag:s12] =	dma.local [hbm:s2], $0x10  }
0x74: {  	s9 =	sadd.s32 $0x400, s0;
	s2 =	sshrl.u32 s19, $0x3;
	s22 =	sand.u32 $0x1FFFFFF0, s18  }
0x75: {  	[spmem:s2], [sflag:s12] =	dma.local [hbm:s8], $0x10  }
0x76: {  	s11 =	sand.u32 $0x1FFFFFF0, s11;
	s2 =	sshrl.u32 s21, $0x3;
	s8 =	sadd.s32 s4, s22  }
0x77: {  	[spmem:s2], [sflag:s12] =	dma.local [hbm:s8], $0x10  }
0x78: {  	s26 =	sand.u32 $0x1FFFFFF0, s14;
	s2 =	sshrl.u32 s23, $0x3;
	s8 =	sadd.s32 s4, s24  }
0x79: {  	[spmem:s2], [sflag:s12] =	dma.local [hbm:s8], $0x10  }
0x7a: {  	s29 =	sand.u32 $0x1FFFFFF0, s15;
	s2 =	sshrl.u32 s25, $0x3;
	s8 =	sadd.s32 s4, s26  }
0x7b: {  	[spmem:s2], [sflag:s12] =	dma.local [hbm:s8], $0x10  }
0x7c: {  	s31 =	sand.u32 $0x1FFFFFF0, s13;
	s2 =	sshrl.u32 s28, $0x3;
	s8 =	sadd.s32 s4, s29  }
0x7d: {  	[spmem:s2], [sflag:s12] =	dma.local [hbm:s8], $0x10  }
0x7e: {  	s14 =	sadd.s32 $0x500, s0;
	s2 =	sshrl.u32 s30, $0x3;
	s8 =	sadd.s32 s4, s31  }
0x7f: {  	[spmem:s2], [sflag:s12] =	dma.local [hbm:s8], $0x10  }
0x80: {  	s13 =	sadd.s32 $0x480, s0;
	s2 =	sshrl.u32 s9, $0x3;
	s8 =	sadd.s32 s4, s11  }
0x81: {  	[spmem:s2], [sflag:s12] =	dma.local [hbm:s8], $0x10  }
0x82: {  	s15 =	sand.u32 $0x1FFFFFF0, s10;
	s16 =	sadd.s32 $0x580, s0;
	s2 =	sshrl.u32 s13, $0x3  }
0x83: {  	[spmem:s2], [sflag:s12] =	dma.local [hbm:s7], $0x10  }
0x84: {  	s18 =	sadd.s32 $0x600, s0;
	s2 =	sshrl.u32 s14, $0x3;
	s7 =	sadd.s32 s4, s15  }
0x85: {  	[spmem:s2], [sflag:s12] =	dma.local [hbm:s7], $0x10  }
0x86: {  	s19 =	sadd.s32 $0x680, s0;
	s21 =	sand.u32 $0x1FFFFFF0, s3;
	s2 =	sshrl.u32 s16, $0x3  }
0x87: {  	[spmem:s2], [sflag:s12] =	dma.local [hbm:s5], $0x10  }
0x88: {  	s22 =	sadd.s32 $0x700, s0;
	s0 =	sadd.s32 $0x780, s0;
	s2 =	sshrl.u32 s18, $0x3  }
0x89: {  	[spmem:s2], [sflag:s12] =	dma.local [hbm:s1], $0x10  }
0x8a: {  	s23 =	sand.u32 $0x1FFFFFF0, s6;
	s1 =	sshrl.u32 s19, $0x3;
	s2 =	sadd.s32 s4, s21  }
0x8b: {  	[spmem:s1], [sflag:s12] =	dma.local [hbm:s2], $0x10  }
0x8c: {  	s24 =	sand.u32 $0x1FFFFFF0, s17;
	s1 =	sshrl.u32 s22, $0x3;
	s2 =	sadd.s32 s4, s23  }
0x8d: {  	[spmem:s1], [sflag:s12] =	dma.local [hbm:s2], $0x10  }
0x8e: {  	s0 =	sshrl.u32 s0, $0x3;
	s25 =	simm.s32 $0x1;
	s1 =	sadd.s32 s4, s24  }
0x8f: {  	[spmem:s0], [sflag:s12] =	dma.local [hbm:s1], $0x10  }
0x90: {  	_ =	swait.ge [sflag:s25], $0x2000  }
0x91: {  	s26 =	rddreg [dreg:$0x13]  }
0x92: {  	[sflag:s25] =	ssyncset.done $0x0;
	s28 =	rddreg [dreg:$0x17]  }
0x93: {  	s30 =	simm.s32 $0x2;
	s29 =	rddreg [dreg:$0x18];
	[sflag:s25] =	ssyncadd.s32 $0xFFFFE000  }
0x94: {  	[hbm:s26], [sflag:s28] =	dma.local [spmem:s29], $0x2000  }
0x95: {  	_ =	swait.ge [sflag:s30], $0x2000  }
0x96: {  	[sflag:s30] =	ssyncset.done $0x0  }
0x97: {  	s17 =	simm.s32 $0x0;
	s31 =	rddreg [dreg:$0x14];
	[sflag:s30] =	ssyncadd.s32 $0xFFFFE000  }
0x98: {  	[tilespmem:s17], [sflag:$0x2] =	stream.linear.gather [hbm4b:s31+s17], $0x200, $0x38;
	[tilespmem:$0x4200] =	vst v63  }
0x99: {  	_ =	swait.ge [sflag:s30], $0x200  }
0x9a: {  	s18 =	simm.s32 $0x2000;
	[sflag:s30] =	ssyncset.done $0x0  }
0x9b: {  	s23 =	simm.s32 $0x0;
	s24 =	rddreg [dreg:$0x11];
	[sflag:s30] =	ssyncadd.s32 $0xFFFFFE00  }
.LBB2_4:
0x9c: {  	v0 =	vld [tilespmem:s17+$0x0];
	_ =	sdelay $0x4  }
0x9d: {  	v0 =	vshll.u32 v0, $0x4  }
0x9e: {  	(v2sf) =	vpush v0, $0xC  }
0x9f: {  	(v2sf) =	vpush v0, $0xF  }
0xa0: {  	(v2sf) =	vpush v0, $0x1  }
0xa1: {  	(v2sf) =	vpush v0, $0xB  }
0xa2: {  	(v2sf) =	vpush v0, $0x9  }
0xa3: {  	s19 =	sadd.s32 s23, s20;
	(v2sf) =	vpush v0, $0x2  }
0xa4: {  	s29 =	smov.u32 s18;
	s1 =	sadd.s32 $0x80, s19;
	(v2sf) =	vpush v0, $0x0  }
0xa5: {  	s7 =	sadd.s32 $0x100, s19;
	s6 =	sadd.s32 $0x180, s19;
	s5 =	sadd.s32 $0x200, s19;
	(v2sf) =	vpush v0, $0x4  }
0xa6: {  	s0 =	sadd.s32 $0x280, s19;
	s2 =	sadd.s32 $0x300, s19;
	s8 =	sadd.s32 $0x380, s19;
	(v2sf) =	vpush v0, $0xA  }
0xa7: {  	s9 =	sadd.s32 $0x400, s19;
	s10 =	sadd.s32 $0x480, s19;
	s11 =	sadd.s32 $0x500, s19;
	(v2sf) =	vpush v0, $0x8  }
0xa8: {  	s13 =	sadd.s32 $0x580, s19;
	s14 =	sadd.s32 $0x600, s19;
	s15 =	sadd.s32 $0x680, s19;
	(v2sf) =	vpush v0, $0x7  }
0xa9: {  	s3 =	sadd.s32 $0x700, s19;
	s16 =	sadd.s32 $0x780, s19;
	s23 =	sshra.s32 s29, $0x2;
	(v2sf) =	vpush v0, $0x5  }
0xaa: {  	s3 =	sshrl.u32 s3, $0x3;
	s28 =	sshrl.u32 s16, $0x3;
	s30 =	sshrl.u32 s13, $0x3;
	(v2sf) =	vpush v0, $0x6  }
0xab: {  	s31 =	sshrl.u32 s14, $0x3;
	s4 =	sshrl.u32 s15, $0x3;
	[dreg:$0x9] =	wrdreg s3;
	(v2sf) =	vpush v0, $0xD  }
0xac: {  	s26 =	sshrl.u32 s10, $0x3;
	s25 =	sshrl.u32 s11, $0x3;
	[dreg:$0x7] =	wrdreg s28;
	(v2sf) =	vpush v0, $0xE  }
0xad: {  	s5 =	sshrl.u32 s5, $0x3;
	[dreg:$0xf] =	wrdreg s30;
	s13 =	spop (v2sf)  }
0xae: {  	s6 =	sshrl.u32 s6, $0x3;
	[dreg:$0xd] =	wrdreg s31;
	(v2sf) =	vpush v0, $0x3;
	s14 =	spop (v2sf)  }
0xaf: {  	s7 =	sshrl.u32 s7, $0x3;
	[dreg:$0xb] =	wrdreg s4;
	s15 =	spop (v2sf)  }
0xb0: {  	s28 =	sshrl.u32 s9, $0x3;
	s31 =	sshrl.u32 s2, $0x3;
	s16 =	spop (v2sf)  }
0xb1: {  	s30 =	sshrl.u32 s8, $0x3;
	s3 =	sshrl.u32 s0, $0x3;
	s20 =	spop (v2sf)  }
0xb2: {  	s2 =	sand.u32 $0x1FFFFFF0, s13;
	s13 =	sshrl.u32 s1, $0x3;
	s21 =	spop (v2sf)  }
0xb3: {  	s8 =	sand.u32 $0x1FFFFFF0, s14;
	s14 =	sshrl.u32 s19, $0x3;
	s22 =	spop (v2sf)  }
0xb4: {  	s9 =	sand.u32 $0x1FFFFFF0, s15;
	s10 =	sand.u32 $0x1FFFFFF0, s16;
	s29 =	spop (v2sf)  }
0xb5: {  	s9 =	sadd.s32 s24, s9;
	s11 =	sand.u32 $0x1FFFFFF0, s20;
	s0 =	spop (v2sf)  }
0xb6: {  	s15 =	sand.u32 $0x1FFFFFF0, s21;
	s1 =	sand.u32 $0x1FFFFFF0, s22;
	s4 =	spop (v2sf)  }
0xb7: {  	s11 =	sadd.s32 s24, s11;
	s21 =	sadd.s32 s24, s1;
	s19 =	spop (v2sf)  }
0xb8: {  	s1 =	sadd.s32 s24, s8;
	s8 =	sand.u32 $0x1FFFFFF0, s4;
	s4 =	spop (v2sf)  }
0xb9: {  	s16 =	sand.u32 $0x1FFFFFF0, s29;
	s29 =	sand.u32 $0x1FFFFFF0, s0;
	s20 =	spop (v2sf)  }
0xba: {  	s0 =	sand.u32 $0x1FFFFFF0, s19;
	s19 =	sand.u32 $0x1FFFFFF0, s20;
	s20 =	spop (v2sf)  }
0xbb: {  	s15 =	sadd.s32 s24, s15;
	s16 =	sadd.s32 s24, s16;
	s22 =	spop (v2sf)  }
0xbc: {  	[spmem:s14], [sflag:s12] =	dma.local [hbm:s21], $0x10  }
0xbd: {  	s29 =	sadd.s32 s24, s29;
	s8 =	sadd.s32 s24, s8;
	s21 =	spop (v2sf)  }
0xbe: {  	s4 =	sand.u32 $0x1FFFFFF0, s4;
	s0 =	sadd.s32 s24, s0;
	s21 =	sand.u32 $0x1FFFFFF0, s21  }
0xbf: {  	[spmem:s13], [sflag:s12] =	dma.local [hbm:s9], $0x10  }
0xc0: {  	s4 =	sadd.s32 s24, s4;
	s19 =	sadd.s32 s24, s19;
	s21 =	sadd.s32 s24, s21  }
0xc1: {  	[spmem:s7], [sflag:s12] =	dma.local [hbm:s15], $0x10  }
0xc2: {  	[spmem:s6], [sflag:s12] =	dma.local [hbm:s21], $0x10  }
0xc3: {  	[spmem:s5], [sflag:s12] =	dma.local [hbm:s16], $0x10  }
0xc4: {  	[spmem:s3], [sflag:s12] =	dma.local [hbm:s4], $0x10  }
0xc5: {  	[spmem:s31], [sflag:s12] =	dma.local [hbm:s19], $0x10  }
0xc6: {  	[spmem:s30], [sflag:s12] =	dma.local [hbm:s0], $0x10  }
0xc7: {  	[spmem:s28], [sflag:s12] =	dma.local [hbm:s8], $0x10  }
0xc8: {  	[spmem:s26], [sflag:s12] =	dma.local [hbm:s11], $0x10  }
0xc9: {  	[spmem:s25], [sflag:s12] =	dma.local [hbm:s29], $0x10  }
0xca: {  	s10 =	sadd.s32 s24, s10;
	s31 =	rddreg [dreg:$0xf]  }
0xcb: {  	[spmem:s31], [sflag:s12] =	dma.local [hbm:s10], $0x10  }
0xcc: {  	s2 =	sadd.s32 s24, s2;
	s20 =	sand.u32 $0x1FFFFFF0, s20;
	s0 =	rddreg [dreg:$0xd]  }
0xcd: {  	[spmem:s0], [sflag:s12] =	dma.local [hbm:s2], $0x10  }
0xce: {  	p0 =	sne.s32 s18, $0x3E000;
	s20 =	sadd.s32 s24, s20;
	s0 =	rddreg [dreg:$0xb]  }
0xcf: {  	[spmem:s0], [sflag:s12] =	dma.local [hbm:s20], $0x10  }
.Ltmp1:
0xd0: {  	s22 =	sand.u32 $0x1FFFFFF0, s22;
	s20 =	rddreg [dreg:$0x5];
	(pc) =	sbr.rel @p0 .LBB2_4-.Ltmp1, $4  }
0xd1: {  	s14 =	sadd.s32 s24, s22;
	s0 =	rddreg [dreg:$0x9]  }
0xd2: {  	[spmem:s0], [sflag:s12] =	dma.local [hbm:s14], $0x10  }
0xd3: {  	s17 =	sadd.s32 $0x10, s17;
	s18 =	sadd.s32 $0x2000, s18;
	s0 =	rddreg [dreg:$0x7]  }
0xd4: {  	[spmem:s0], [sflag:s12] =	dma.local [hbm:s1], $0x10  }
0xd5: {  	v0 =	vld [tilespmem:s17+$0x0];
	_ =	sdelay $0x4  }
0xd6: {  	v0 =	vshll.u32 v0, $0x4  }
0xd7: {  	(v2sf) =	vpush v0, $0xC  }
0xd8: {  	(v2sf) =	vpush v0, $0xF  }
0xd9: {  	(v2sf) =	vpush v0, $0x1  }
0xda: {  	(v2sf) =	vpush v0, $0xB  }
0xdb: {  	(v2sf) =	vpush v0, $0x9  }
0xdc: {  	(v2sf) =	vpush v0, $0x2  }
0xdd: {  	(v2sf) =	vpush v0, $0x0  }
0xde: {  	(v2sf) =	vpush v0, $0x4  }
0xdf: {  	(v2sf) =	vpush v0, $0xA  }
0xe0: {  	(v2sf) =	vpush v0, $0x8  }
0xe1: {  	(v2sf) =	vpush v0, $0x7  }
0xe2: {  	(v2sf) =	vpush v0, $0x5  }
0xe3: {  	(v2sf) =	vpush v0, $0x6  }
0xe4: {  	(v2sf) =	vpush v0, $0xD  }
0xe5: {  	(v2sf) =	vpush v0, $0xE  }
0xe6: {  	s1 =	spop (v2sf)  }
0xe7: {  	s17 =	spop (v2sf)  }
0xe8: {  	(v2sf) =	vpush v0, $0x3;
	s2 =	spop (v2sf)  }
0xe9: {  	s5 =	spop (v2sf)  }
0xea: {  	s4 =	spop (v2sf)  }
0xeb: {  	s7 =	spop (v2sf)  }
0xec: {  	s3 =	spop (v2sf)  }
0xed: {  	s0 =	sadd.s32 s23, s20;
	s8 =	spop (v2sf)  }
0xee: {  	s15 =	sshrl.u32 s0, $0x3;
	s18 =	sadd.s32 $0x100, s0;
	s9 =	spop (v2sf)  }
0xef: {  	s19 =	sadd.s32 $0x180, s0;
	s22 =	sadd.s32 $0x200, s0;
	s10 =	spop (v2sf)  }
0xf0: {  	s25 =	sadd.s32 $0x280, s0;
	s28 =	sadd.s32 $0x300, s0;
	s11 =	spop (v2sf)  }
0xf1: {  	s30 =	sadd.s32 $0x380, s0;
	s1 =	sand.u32 $0x1FFFFFF0, s1;
	s13 =	spop (v2sf)  }
0xf2: {  	s1 =	sadd.s32 s24, s1;
	s2 =	sand.u32 $0x1FFFFFF0, s2;
	s14 =	spop (v2sf)  }
0xf3: {  	s2 =	sadd.s32 s24, s2;
	s6 =	sand.u32 $0x1FFFFFF0, s3;
	s3 =	spop (v2sf)  }
0xf4: {  	s4 =	sand.u32 $0x1FFFFFF0, s4;
	s16 =	sadd.s32 s24, s6;
	s6 =	spop (v2sf)  }
0xf5: {  	[spmem:s15], [sflag:s12] =	dma.local [hbm:s16], $0x10  }
0xf6: {  	s7 =	sand.u32 $0x1FFFFFF0, s7;
	s4 =	sadd.s32 s24, s4;
	s16 =	sadd.s32 $0x80, s0  }
0xf7: {  	s7 =	sadd.s32 s24, s7;
	s15 =	sshrl.u32 s16, $0x3;
	s16 =	spop (v2sf)  }
0xf8: {  	[spmem:s15], [sflag:s12] =	dma.local [hbm:s2], $0x10  }
0xf9: {  	s23 =	sand.u32 $0x1FFFFFF0, s8;
	s2 =	sshrl.u32 s18, $0x3;
	s21 =	sand.u32 $0x1FFFFFF0, s16  }
0xfa: {  	[spmem:s2], [sflag:s12] =	dma.local [hbm:s7], $0x10  }
0xfb: {  	s8 =	sand.u32 $0x1FFFFFF0, s10;
	s2 =	sshrl.u32 s19, $0x3;
	s7 =	sadd.s32 s24, s21  }
0xfc: {  	[spmem:s2], [sflag:s12] =	dma.local [hbm:s7], $0x10  }
0xfd: {  	s26 =	sand.u32 $0x1FFFFFF0, s13;
	s2 =	sshrl.u32 s22, $0x3;
	s7 =	sadd.s32 s24, s23  }
0xfe: {  	[spmem:s2], [sflag:s12] =	dma.local [hbm:s7], $0x10  }
0xff: {  	s29 =	sand.u32 $0x1FFFFFF0, s14;
	s2 =	sshrl.u32 s25, $0x3;
	s7 =	sadd.s32 s24, s26  }
0x100: {  	[spmem:s2], [sflag:s12] =	dma.local [hbm:s7], $0x10  }
0x101: {  	s31 =	sand.u32 $0x1FFFFFF0, s11;
	s2 =	sshrl.u32 s28, $0x3;
	s7 =	sadd.s32 s24, s29  }
0x102: {  	[spmem:s2], [sflag:s12] =	dma.local [hbm:s7], $0x10  }
0x103: {  	s10 =	sadd.s32 $0x480, s0;
	s2 =	sshrl.u32 s30, $0x3;
	s7 =	sadd.s32 s24, s31  }
0x104: {  	[spmem:s2], [sflag:s12] =	dma.local [hbm:s7], $0x10  }
0x105: {  	s11 =	sadd.s32 $0x500, s0;
	s13 =	sand.u32 $0x1FFFFFF0, s9;
	s7 =	sadd.s32 $0x400, s0  }
0x106: {  	s14 =	sadd.s32 $0x580, s0;
	s2 =	sshrl.u32 s7, $0x3;
	s7 =	sadd.s32 s24, s8  }
0x107: {  	[spmem:s2], [sflag:s12] =	dma.local [hbm:s7], $0x10  }
0x108: {  	s15 =	sand.u32 $0x1FFFFFF0, s5;
	s16 =	sadd.s32 $0x600, s0;
	s2 =	sshrl.u32 s10, $0x3  }
0x109: {  	[spmem:s2], [sflag:s12] =	dma.local [hbm:s4], $0x10  }
0x10a: {  	s18 =	sadd.s32 $0x680, s0;
	s2 =	sshrl.u32 s11, $0x3;
	s4 =	sadd.s32 s24, s13  }
0x10b: {  	[spmem:s2], [sflag:s12] =	dma.local [hbm:s4], $0x10  }
0x10c: {  	s19 =	sand.u32 $0x1FFFFFF0, s3;
	s2 =	sshrl.u32 s14, $0x3;
	s4 =	sadd.s32 s24, s15  }
0x10d: {  	[spmem:s2], [sflag:s12] =	dma.local [hbm:s4], $0x10  }
0x10e: {  	s21 =	sadd.s32 $0x700, s0;
	s22 =	sand.u32 $0x1FFFFFF0, s6;
	s2 =	sshrl.u32 s16, $0x3  }
0x10f: {  	[spmem:s2], [sflag:s12] =	dma.local [hbm:s1], $0x10  }
0x110: {  	s23 =	sand.u32 $0x1FFFFFF0, s17;
	s1 =	sshrl.u32 s18, $0x3;
	s2 =	sadd.s32 s24, s19  }
0x111: {  	[spmem:s1], [sflag:s12] =	dma.local [hbm:s2], $0x10  }
0x112: {  	s0 =	sadd.s32 $0x780, s0;
	s1 =	sshrl.u32 s21, $0x3;
	s2 =	sadd.s32 s24, s22  }
0x113: {  	[spmem:s1], [sflag:s12] =	dma.local [hbm:s2], $0x10  }
0x114: {  	s25 =	simm.s32 $0x1;
	s0 =	sshrl.u32 s0, $0x3;
	s1 =	sadd.s32 s24, s23  }
0x115: {  	[spmem:s0], [sflag:s12] =	dma.local [hbm:s1], $0x10  }
0x116: {  	_ =	swait.ge [sflag:s25], $0x2000  }
0x117: {  	s26 =	rddreg [dreg:$0x15]  }
0x118: {  	[sflag:s25] =	ssyncset.done $0x0;
	s28 =	rddreg [dreg:$0x17]  }
0x119: {  	s2 =	simm.s32 $0x2;
	s29 =	rddreg [dreg:$0x18];
	[sflag:s25] =	ssyncadd.s32 $0xFFFFE000  }
0x11a: {  	[hbm:s26], [sflag:s28] =	dma.local [spmem:s29], $0x2000  }
0x11b: {  	_ =	swait.ge [sflag:s2], $0x2000  }
0x11c: {  	s30 =	rddreg [dreg:$0x19]  }
0x11d: {  	s31 =	rddreg [dreg:$0x16];
	s1 =	sadd.s32 $0x1, s30  }
0x11e: {  	p0 =	sne.s32 s1, s31  }
.Ltmp2:
0x11f: {  	_ = 	snop;
	(pc) =	sbr.rel @p0 .LBB2_1-.Ltmp2, $3  }
0x120: {  	_ =	sdelay $0x1  }
0x121: {  	[sflag:s2] =	ssyncset.done $0x0  }
0x122: {  	[sflag:s2] =	ssyncadd.s32 $0xFFFFE000  }
0x123: {  	_ =	sfence.sel $0x180000  }
0x124: {  	[bflag:$0x0] =	sbarrier.arrive $0xFFFF  }
0x125: {  	_ =	strace $0x90000047  }
0x126: {  	s0 =	stileid.u32;
	[bflag:$0x2] =	sbarrier.arrive $0xFFFF  }
0x127: {  	p0 =	sne.s32 s0, $0x0;
	s0 =	rddreg [dreg:$0x4]  }
0x128: {  	s0 =	sadd.s32 @!p0 $0x100000, s0  }
0x129: {  	[sflag:s0] =	ssyncadd.tile.s32 @!p0 $0x1;
	_ =	shalt  }
.Lfunc_end2:
_tile_overlayer_lowered:
.L_overlay_start_2:
0x12a: {  	(tag) =	ssettag $0x2  }
0x12b: {  	s0 =	rddreg [dreg:$0x0];
	s2 =	stileid.u32  }
0x12c: {  	s1 =	rddreg [dreg:$0x1];
	p0 =	sne.s32 s2, $0x0  }
0x12d: {  	s3 =	rddreg [dreg:$0x2];
	[bflag:$0x3] =	sbarrier.arrive $0xFFFF;
	s2 =	simm.s32 @!p0 $0x1C02  }
0x12e: {  	[timem:s3], [sflag:s2] =	dma.local @!p0 [hbm:s0], s1  }
0x12f: {  	s0 =	simm.s32 @!p0 $0x2  }
0x130: {  	_ =	swait.ge @!p0 [sflag:s0], s1  }
0x131: {  	s1 =	ssub.s32 @!p0 $0x0, s1;
	[sflag:s0] =	ssyncset.done @!p0 $0x0  }
0x132: {  	[sflag:s0] =	ssyncadd.s32 @!p0 s1  }
0x133: {  	[bflag:$0x3] =	sbarrier.arrive $0xFFFF  }
0x134: {  	_ =	shalt  }

</sc_bundles>
